<compile_context>
chip_gen: v7x
topology: tpu7x:2x2x1
jax: 0.10.2.dev20260603
libtpu: 0.0.44.dev20260713+nightly
codegen_flags: <defaults>
</compile_context>

<pallas_src>
import jax
import jax.numpy as jnp
from jax import lax
from jax.experimental import pallas as pl
from jax.experimental.pallas import tpu as pltpu
from jax.experimental.pallas import tpu_sc as plsc

D = 1024
NC, NS = 2, 16
NW = NC * NS
CH = 8


def _sc_body(emb_hbm, pos_hbm, tim_hbm, flg_hbm, pos_tab_hbm, tim_tab_hbm,
             out_hbm, idx2, flg_v, bufs,
             sem_i, sem_f, sem_ga, sem_gb, sem_w):
    T = pos_hbm.shape[0]
    tpw = T // NW
    pos_idx = idx2.at[0]
    tim_idx = idx2.at[1]
    pos_a = bufs.at[0]
    tim_a = bufs.at[1]
    emb_a = bufs.at[2]
    pos_b = bufs.at[3]
    tim_b = bufs.at[4]
    emb_b = bufs.at[5]
    wid = lax.axis_index("c") * NS + lax.axis_index("s")
    base = wid * tpw

    ci0 = pltpu.async_copy(pos_hbm.at[pl.ds(base, tpw)], pos_idx, sem_i)
    ci1 = pltpu.async_copy(tim_hbm.at[pl.ds(base, tpw)], tim_idx, sem_i)
    ci2 = pltpu.async_copy(flg_hbm.at[pl.ds(base, tpw)], flg_v, sem_i)
    ci0.wait()
    ci1.wait()
    ci2.wait()
    cf = pltpu.async_copy(flg_v, out_hbm.at[pl.ds(base, tpw), pl.ds(3 * D, 1)],
                          sem_f)

    def gathers(tok, off, pos_buf, tim_buf, emb_buf, sem):
        return (
            pltpu.async_copy(
                pos_tab_hbm.at[pos_idx.at[pl.ds(off, CH)]], pos_buf, sem),
            pltpu.async_copy(
                tim_tab_hbm.at[tim_idx.at[pl.ds(off, CH)]], tim_buf, sem),
            pltpu.async_copy(emb_hbm.at[pl.ds(tok, CH)], emb_buf, sem),
        )

    def writes(tok, pos_buf, tim_buf, emb_buf):
        return (
            pltpu.async_copy(
                emb_buf, out_hbm.at[pl.ds(tok, CH), pl.ds(0, D)], sem_w),
            pltpu.async_copy(
                pos_buf, out_hbm.at[pl.ds(tok, CH), pl.ds(D, D)], sem_w),
            pltpu.async_copy(
                tim_buf, out_hbm.at[pl.ds(tok, CH), pl.ds(2 * D, D)], sem_w),
        )

    def pair(i, _):
        t0 = base + (2 * i) * CH
        t1 = t0 + CH
        o0 = (2 * i) * CH
        ga = gathers(t0, o0, pos_a, tim_a, emb_a, sem_ga)
        gb = gathers(t1, o0 + CH, pos_b, tim_b, emb_b, sem_gb)
        for h in ga:
            h.wait()
        wa = writes(t0, pos_a, tim_a, emb_a)
        for h in gb:
            h.wait()
        wb = writes(t1, pos_b, tim_b, emb_b)
        for h in wa:
            h.wait()
        for h in wb:
            h.wait()
        return ()

    lax.fori_loop(0, tpw // (2 * CH), pair, ())
    cf.wait()


def kernel(embeddings, positions, times, source_flags, pos_table, time_table):
    B, S, Dm = embeddings.shape
    T = B * S
    tpw = T // NW
    emb = embeddings.reshape(T, Dm)
    pos = positions.reshape(T).astype(jnp.int32)
    tim = times.reshape(T).astype(jnp.int32)
    flg = source_flags.reshape(T, 1).astype(jnp.float32)
    mesh = plsc.VectorSubcoreMesh(
        core_axis_name="c", subcore_axis_name="s",
        num_cores=NC, num_subcores=NS)
    out = pl.kernel(
        _sc_body,
        out_type=jax.ShapeDtypeStruct((T, 3 * Dm + 1), jnp.float32),
        mesh=mesh,
        scratch_types=[
            pltpu.VMEM((2, tpw), jnp.int32),
            pltpu.VMEM((tpw, 1), jnp.float32),
            pltpu.VMEM((6, CH, Dm), jnp.float32),
            pltpu.SemaphoreType.DMA,
            pltpu.SemaphoreType.DMA,
            pltpu.SemaphoreType.DMA,
            pltpu.SemaphoreType.DMA,
            pltpu.SemaphoreType.DMA,
        ],
    )(emb, pos, tim, flg, pos_table, time_table)
    return out.reshape(B, S, 3 * Dm + 1)

# --- scband reference (transcript-rebuilt; emitter-appended) ---
"""Pipeline reference for scband-modality-projection-73933567033602 (READ-ONLY COPY).

The authoritative reference and input builder live on the scoring server;
editing this copy changes nothing except your own understanding.
"""

import jax, jax.numpy as jnp
import numpy as np

D_MODEL = 1024
MAX_POS = 5000
MAX_TIME = 1000
B, S = 4, 4096


def setup_inputs(seed: int = 0) -> dict:
    key = jax.random.key(seed)
    k1, k2, k3, k4, k5, k6 = jax.random.split(key, 6)
    embeddings = jax.random.normal(k1, (B, S, D_MODEL), dtype=jnp.float32)
    positions = jax.random.randint(k2, (B, S), 0, MAX_POS, dtype=jnp.int64 if jax.config.jax_enable_x64 else jnp.int32)
    times = jax.random.randint(k3, (B, S), 0, MAX_TIME, dtype=jnp.int64 if jax.config.jax_enable_x64 else jnp.int32)
    source_flags = jax.random.randint(k4, (B, S), 0, 2, dtype=jnp.int64 if jax.config.jax_enable_x64 else jnp.int32)
    # Learned embedding tables (nn.Embedding default init ~ N(0,1))
    pos_table = jax.random.normal(k5, (MAX_POS, D_MODEL), dtype=jnp.float32)
    time_table = jax.random.normal(k6, (MAX_TIME, D_MODEL), dtype=jnp.float32)
    return {
        "embeddings": embeddings,
        "positions": positions,
        "times": times,
        "source_flags": source_flags,
        "pos_table": pos_table,
        "time_table": time_table,
    }


def reference(embeddings, positions, times, source_flags, pos_table, time_table):
    pos_encodings = jnp.take(pos_table, positions, axis=0)
    time_encodings = jnp.take(time_table, times, axis=0)
    out = jnp.concatenate([embeddings, pos_encodings, time_encodings], axis=-1)
    flags = source_flags[..., None].astype(jnp.float32)
    out = jnp.concatenate([out, flags], axis=-1)
    return out

if __name__ == "__main__":
    import jax
    _d = setup_inputs()
    print(jax.jit(kernel)(*tuple(_d.values())))

</pallas_src>

<mosaic_0001>
#map = affine_map<(d0, d1) -> (0, 0)>
#map1 = affine_map<(d0, d1) -> (0)>
module attributes {stable_mosaic.version = 14 : i64} {
  func.func @_sc_body(%arg0: i32, %arg1: i32, %arg2: memref<16384x1024xf32, #tpu.memory_space<hbm>>, %arg3: memref<16384xi32, #tpu.memory_space<hbm>>, %arg4: memref<16384xi32, #tpu.memory_space<hbm>>, %arg5: memref<16384x1xf32, #tpu.memory_space<hbm>>, %arg6: memref<5000x1024xf32, #tpu.memory_space<hbm>>, %arg7: memref<1000x1024xf32, #tpu.memory_space<hbm>>, %arg8: memref<16384x3073xf32, #tpu.memory_space<hbm>>, %arg9: memref<2x512xi32, #tpu.memory_space<vmem>>, %arg10: memref<512x1xf32, #tpu.memory_space<vmem>>, %arg11: memref<6x8x1024xf32, #tpu.memory_space<vmem>>, %arg12: memref<!tpu.dma_semaphore, #tpu.memory_space<semaphore_mem>>, %arg13: memref<!tpu.dma_semaphore, #tpu.memory_space<semaphore_mem>>, %arg14: memref<!tpu.dma_semaphore, #tpu.memory_space<semaphore_mem>>, %arg15: memref<!tpu.dma_semaphore, #tpu.memory_space<semaphore_mem>>, %arg16: memref<!tpu.dma_semaphore, #tpu.memory_space<semaphore_mem>>) attributes {dimension_semantics = [#tpu.dimension_semantics<core_parallel>, #tpu.dimension_semantics<subcore_parallel>], iteration_bounds = array<i64: 2, 16>, scalar_prefetch = 0 : i64, scratch_operands = 8 : i64, tpu.core_type = #tpu.core_type<sc_vector_subcore>, window_params = [{transform_indices = #map}, {transform_indices = #map1}, {transform_indices = #map1}, {transform_indices = #map}, {transform_indices = #map}, {transform_indices = #map}, {transform_indices = #map}]} {
    %mul3A = arith.constant 16 : i32
    %mul3A_0 = arith.muli %arg0, %mul3A : i32
    %add3A = arith.addi %mul3A_0, %arg1 : i32
    %mul3A_1 = arith.constant 512 : i32
    %mul3A_2 = arith.muli %add3A, %mul3A_1 : i32
    %dma_start3A = arith.constant 0 : i32
    %dma_start3A_3 = arith.constant 0 : i32
    %dma_start3A_4 = tpu.memref_slice %arg9[%dma_start3A, %dma_start3A_3] : memref<2x512xi32, #tpu.memory_space<vmem>> -> memref<1x512xi32, #tpu.memory_space<vmem>>
    %dma_start3A_5 = tpu.memref_squeeze %dma_start3A_4 : memref<1x512xi32, #tpu.memory_space<vmem>> -> memref<512xi32, #tpu.memory_space<vmem>>
    %dma_start3A_6 = tpu.memref_slice %arg3[%mul3A_2] : memref<16384xi32, #tpu.memory_space<hbm>> -> memref<512xi32, #tpu.memory_space<hbm>>
    %dma_start3A_7 = arith.constant 0 : i32
    %dma_start3A_8 = tpu.memref_slice %arg9[%dma_start3A, %dma_start3A_7] : memref<2x512xi32, #tpu.memory_space<vmem>> -> memref<1x512xi32, #tpu.memory_space<vmem>>
    %dma_start3A_9 = tpu.memref_squeeze %dma_start3A_8 : memref<1x512xi32, #tpu.memory_space<vmem>> -> memref<512xi32, #tpu.memory_space<vmem>>
    %dma_start3A_10 = tpu.memref_slice %arg3[%mul3A_2] : memref<16384xi32, #tpu.memory_space<hbm>> -> memref<512xi32, #tpu.memory_space<hbm>>
    tpu.enqueue_dma source(%dma_start3A_10 : memref<512xi32, #tpu.memory_space<hbm>>) target(%dma_start3A_9 : memref<512xi32, #tpu.memory_space<vmem>>) target_semaphore(%arg12 : memref<!tpu.dma_semaphore, #tpu.memory_space<semaphore_mem>>)
    %dma_start3A_11 = arith.constant 1 : i32
    %dma_start3A_12 = arith.constant 0 : i32
    %dma_start3A_13 = tpu.memref_slice %arg9[%dma_start3A_11, %dma_start3A_12] : memref<2x512xi32, #tpu.memory_space<vmem>> -> memref<1x512xi32, #tpu.memory_space<vmem>>
    %dma_start3A_14 = tpu.memref_squeeze %dma_start3A_13 : memref<1x512xi32, #tpu.memory_space<vmem>> -> memref<512xi32, #tpu.memory_space<vmem>>
    %dma_start3A_15 = tpu.memref_slice %arg4[%mul3A_2] : memref<16384xi32, #tpu.memory_space<hbm>> -> memref<512xi32, #tpu.memory_space<hbm>>
    %dma_start3A_16 = arith.constant 0 : i32
    %dma_start3A_17 = tpu.memref_slice %arg9[%dma_start3A_11, %dma_start3A_16] : memref<2x512xi32, #tpu.memory_space<vmem>> -> memref<1x512xi32, #tpu.memory_space<vmem>>
    %dma_start3A_18 = tpu.memref_squeeze %dma_start3A_17 : memref<1x512xi32, #tpu.memory_space<vmem>> -> memref<512xi32, #tpu.memory_space<vmem>>
    %dma_start3A_19 = tpu.memref_slice %arg4[%mul3A_2] : memref<16384xi32, #tpu.memory_space<hbm>> -> memref<512xi32, #tpu.memory_space<hbm>>
    tpu.enqueue_dma source(%dma_start3A_19 : memref<512xi32, #tpu.memory_space<hbm>>) target(%dma_start3A_18 : memref<512xi32, #tpu.memory_space<vmem>>) target_semaphore(%arg12 : memref<!tpu.dma_semaphore, #tpu.memory_space<semaphore_mem>>)
    %dma_start3A_20 = arith.constant 0 : i32
    %dma_start3A_21 = tpu.memref_slice %arg5[%mul3A_2, %dma_start3A_20] : memref<16384x1xf32, #tpu.memory_space<hbm>> -> memref<512x1xf32, #tpu.memory_space<hbm>>
    %dma_start3A_22 = arith.constant 0 : i32
    %dma_start3A_23 = tpu.memref_slice %arg5[%mul3A_2, %dma_start3A_22] : memref<16384x1xf32, #tpu.memory_space<hbm>> -> memref<512x1xf32, #tpu.memory_space<hbm>>
    tpu.enqueue_dma source(%dma_start3A_23 : memref<512x1xf32, #tpu.memory_space<hbm>>) target(%arg10 : memref<512x1xf32, #tpu.memory_space<vmem>>) target_semaphore(%arg12 : memref<!tpu.dma_semaphore, #tpu.memory_space<semaphore_mem>>)
    %dma_wait3A = arith.constant 0 : i32
    %dma_wait3A_24 = arith.constant 0 : i32
    %dma_wait3A_25 = tpu.memref_slice %arg9[%dma_wait3A, %dma_wait3A_24] : memref<2x512xi32, #tpu.memory_space<vmem>> -> memref<1x512xi32, #tpu.memory_space<vmem>>
    %dma_wait3A_26 = tpu.memref_squeeze %dma_wait3A_25 : memref<1x512xi32, #tpu.memory_space<vmem>> -> memref<512xi32, #tpu.memory_space<vmem>>
    %dma_wait3A_27 = tpu.memref_slice %arg3[%mul3A_2] : memref<16384xi32, #tpu.memory_space<hbm>> -> memref<512xi32, #tpu.memory_space<hbm>>
    %dma_wait3A_28 = arith.constant 0 : i32
    %dma_wait3A_29 = tpu.memref_slice %arg9[%dma_wait3A, %dma_wait3A_28] : memref<2x512xi32, #tpu.memory_space<vmem>> -> memref<1x512xi32, #tpu.memory_space<vmem>>
    %dma_wait3A_30 = tpu.memref_squeeze %dma_wait3A_29 : memref<1x512xi32, #tpu.memory_space<vmem>> -> memref<512xi32, #tpu.memory_space<vmem>>
    %dma_wait3A_31 = tpu.memref_slice %arg3[%mul3A_2] : memref<16384xi32, #tpu.memory_space<hbm>> -> memref<512xi32, #tpu.memory_space<hbm>>
    tpu.wait_dma2 semaphore(%arg12 : memref<!tpu.dma_semaphore, #tpu.memory_space<semaphore_mem>>) src(%dma_wait3A_31 : memref<512xi32, #tpu.memory_space<hbm>>) dst(%dma_wait3A_30 : memref<512xi32, #tpu.memory_space<vmem>>)
    %dma_wait3A_32 = arith.constant 1 : i32
    %dma_wait3A_33 = arith.constant 0 : i32
    %dma_wait3A_34 = tpu.memref_slice %arg9[%dma_wait3A_32, %dma_wait3A_33] : memref<2x512xi32, #tpu.memory_space<vmem>> -> memref<1x512xi32, #tpu.memory_space<vmem>>
    %dma_wait3A_35 = tpu.memref_squeeze %dma_wait3A_34 : memref<1x512xi32, #tpu.memory_space<vmem>> -> memref<512xi32, #tpu.memory_space<vmem>>
    %dma_wait3A_36 = tpu.memref_slice %arg4[%mul3A_2] : memref<16384xi32, #tpu.memory_space<hbm>> -> memref<512xi32, #tpu.memory_space<hbm>>
    %dma_wait3A_37 = arith.constant 0 : i32
    %dma_wait3A_38 = tpu.memref_slice %arg9[%dma_wait3A_32, %dma_wait3A_37] : memref<2x512xi32, #tpu.memory_space<vmem>> -> memref<1x512xi32, #tpu.memory_space<vmem>>
    %dma_wait3A_39 = tpu.memref_squeeze %dma_wait3A_38 : memref<1x512xi32, #tpu.memory_space<vmem>> -> memref<512xi32, #tpu.memory_space<vmem>>
    %dma_wait3A_40 = tpu.memref_slice %arg4[%mul3A_2] : memref<16384xi32, #tpu.memory_space<hbm>> -> memref<512xi32, #tpu.memory_space<hbm>>
    tpu.wait_dma2 semaphore(%arg12 : memref<!tpu.dma_semaphore, #tpu.memory_space<semaphore_mem>>) src(%dma_wait3A_40 : memref<512xi32, #tpu.memory_space<hbm>>) dst(%dma_wait3A_39 : memref<512xi32, #tpu.memory_space<vmem>>)
    %dma_wait3A_41 = arith.constant 0 : i32
    %dma_wait3A_42 = tpu.memref_slice %arg5[%mul3A_2, %dma_wait3A_41] : memref<16384x1xf32, #tpu.memory_space<hbm>> -> memref<512x1xf32, #tpu.memory_space<hbm>>
    %dma_wait3A_43 = arith.constant 0 : i32
    %dma_wait3A_44 = tpu.memref_slice %arg5[%mul3A_2, %dma_wait3A_43] : memref<16384x1xf32, #tpu.memory_space<hbm>> -> memref<512x1xf32, #tpu.memory_space<hbm>>
    tpu.wait_dma2 semaphore(%arg12 : memref<!tpu.dma_semaphore, #tpu.memory_space<semaphore_mem>>) src(%dma_wait3A_44 : memref<512x1xf32, #tpu.memory_space<hbm>>) dst(%arg10 : memref<512x1xf32, #tpu.memory_space<vmem>>)
    %dma_start3A_45 = arith.constant 3072 : i32
    %dma_start3A_46 = tpu.memref_slice %arg8[%mul3A_2, %dma_start3A_45] : memref<16384x3073xf32, #tpu.memory_space<hbm>> -> memref<512x1xf32, #tpu.memory_space<hbm>>
    %dma_start3A_47 = arith.constant 3072 : i32
    %dma_start3A_48 = tpu.memref_slice %arg8[%mul3A_2, %dma_start3A_47] : memref<16384x3073xf32, #tpu.memory_space<hbm>> -> memref<512x1xf32, #tpu.memory_space<hbm>>
    tpu.enqueue_dma source(%arg10 : memref<512x1xf32, #tpu.memory_space<vmem>>) target(%dma_start3A_48 : memref<512x1xf32, #tpu.memory_space<hbm>>) target_semaphore(%arg13 : memref<!tpu.dma_semaphore, #tpu.memory_space<semaphore_mem>>)
    %scan3A = arith.constant 0 : i32
    %scan3A_49 = arith.constant 0 : i32
    %scan3A_50 = arith.constant 1 : i32
    %scan3A_51 = arith.constant 1 : i32
    %scan3A_52 = arith.constant 2 : i32
    %scan3A_53 = arith.constant 3 : i32
    %scan3A_54 = arith.constant 4 : i32
    %scan3A_55 = arith.constant 5 : i32
    %scan3A_56 = arith.constant 0 : i32
    %scan3A_57 = arith.constant 32 : i32
    %scan3A_58 = arith.addi %scan3A_56, %scan3A_57 : i32
    %scan3A_59 = arith.constant 1 : i32
    scf.for %scan3A_65 = %scan3A_56 to %scan3A_58 step %scan3A_59  : i32 {
      %mul3A_66 = arith.constant 2 : i32
      %mul3A_67 = arith.muli %mul3A_66, %scan3A_65 : i32
      %mul3A_68 = arith.constant 8 : i32
      %mul3A_69 = arith.muli %mul3A_67, %mul3A_68 : i32
      %add3A_70 = arith.addi %mul3A_2, %mul3A_69 : i32
      %add3A_71 = arith.constant 8 : i32
      %add3A_72 = arith.addi %add3A_70, %add3A_71 : i32
      %mul3A_73 = arith.constant 2 : i32
      %mul3A_74 = arith.muli %mul3A_73, %scan3A_65 : i32
      %mul3A_75 = arith.constant 8 : i32
      %mul3A_76 = arith.muli %mul3A_74, %mul3A_75 : i32
      %dma_start3A_77 = arith.constant 0 : i32
      %dma_start3A_78 = arith.constant 0 : i32
      %dma_start3A_79 = tpu.memref_slice %arg11[%scan3A_49, %dma_start3A_77, %dma_start3A_78] : memref<6x8x1024xf32, #tpu.memory_space<vmem>> -> memref<1x8x1024xf32, #tpu.memory_space<vmem>>
      %dma_start3A_80 = tpu.memref_squeeze %dma_start3A_79 : memref<1x8x1024xf32, #tpu.memory_space<vmem>> -> memref<8x1024xf32, #tpu.memory_space<vmem>>
      %dma_start3A_81 = arith.constant 0 : i32
      %dma_start3A_82 = tpu.memref_slice %arg9[%scan3A, %dma_start3A_81] : memref<2x512xi32, #tpu.memory_space<vmem>> -> memref<1x512xi32, #tpu.memory_space<vmem>>
      %dma_start3A_83 = tpu.memref_squeeze %dma_start3A_82 : memref<1x512xi32, #tpu.memory_space<vmem>> -> memref<512xi32, #tpu.memory_space<vmem>>
      %dma_start3A_84 = tpu.memref_slice %dma_start3A_83[%mul3A_76] : memref<512xi32, #tpu.memory_space<vmem>> -> memref<8xi32, #tpu.memory_space<vmem>>
      %dma_start3A_85 = arith.constant 0 : i32
      %dma_start3A_86 = arith.constant 0 : i32
      %dma_start3A_87 = tpu.memref_slice %arg6[%dma_start3A_85, %dma_start3A_86] : memref<5000x1024xf32, #tpu.memory_space<hbm>> -> memref<5000x1024xf32, #tpu.memory_space<hbm>>
      tpu.enqueue_indirect_dma source(%dma_start3A_87 : memref<5000x1024xf32, #tpu.memory_space<hbm>>) target(%dma_start3A_80 : memref<8x1024xf32, #tpu.memory_space<vmem>>) offsets(%dma_start3A_84 : memref<8xi32, #tpu.memory_space<vmem>>) semaphore(%arg14 : memref<!tpu.dma_semaphore, #tpu.memory_space<semaphore_mem>>)
      %dma_start3A_88 = arith.constant 0 : i32
      %dma_start3A_89 = arith.constant 0 : i32
      %dma_start3A_90 = tpu.memref_slice %arg11[%scan3A_51, %dma_start3A_88, %dma_start3A_89] : memref<6x8x1024xf32, #tpu.memory_space<vmem>> -> memref<1x8x1024xf32, #tpu.memory_space<vmem>>
      %dma_start3A_91 = tpu.memref_squeeze %dma_start3A_90 : memref<1x8x1024xf32, #tpu.memory_space<vmem>> -> memref<8x1024xf32, #tpu.memory_space<vmem>>
      %dma_start3A_92 = arith.constant 0 : i32
      %dma_start3A_93 = tpu.memref_slice %arg9[%scan3A_50, %dma_start3A_92] : memref<2x512xi32, #tpu.memory_space<vmem>> -> memref<1x512xi32, #tpu.memory_space<vmem>>
      %dma_start3A_94 = tpu.memref_squeeze %dma_start3A_93 : memref<1x512xi32, #tpu.memory_space<vmem>> -> memref<512xi32, #tpu.memory_space<vmem>>
      %dma_start3A_95 = tpu.memref_slice %dma_start3A_94[%mul3A_76] : memref<512xi32, #tpu.memory_space<vmem>> -> memref<8xi32, #tpu.memory_space<vmem>>
      %dma_start3A_96 = arith.constant 0 : i32
      %dma_start3A_97 = arith.constant 0 : i32
      %dma_start3A_98 = tpu.memref_slice %arg7[%dma_start3A_96, %dma_start3A_97] : memref<1000x1024xf32, #tpu.memory_space<hbm>> -> memref<1000x1024xf32, #tpu.memory_space<hbm>>
      tpu.enqueue_indirect_dma source(%dma_start3A_98 : memref<1000x1024xf32, #tpu.memory_space<hbm>>) target(%dma_start3A_91 : memref<8x1024xf32, #tpu.memory_space<vmem>>) offsets(%dma_start3A_95 : memref<8xi32, #tpu.memory_space<vmem>>) semaphore(%arg14 : memref<!tpu.dma_semaphore, #tpu.memory_space<semaphore_mem>>)
      %dma_start3A_99 = arith.constant 0 : i32
      %dma_start3A_100 = arith.constant 0 : i32
      %dma_start3A_101 = tpu.memref_slice %arg11[%scan3A_52, %dma_start3A_99, %dma_start3A_100] : memref<6x8x1024xf32, #tpu.memory_space<vmem>> -> memref<1x8x1024xf32, #tpu.memory_space<vmem>>
      %dma_start3A_102 = tpu.memref_squeeze %dma_start3A_101 : memref<1x8x1024xf32, #tpu.memory_space<vmem>> -> memref<8x1024xf32, #tpu.memory_space<vmem>>
      %dma_start3A_103 = arith.constant 0 : i32
      %dma_start3A_104 = tpu.memref_slice %arg2[%add3A_70, %dma_start3A_103] : memref<16384x1024xf32, #tpu.memory_space<hbm>> -> memref<8x1024xf32, #tpu.memory_space<hbm>>
      %dma_start3A_105 = arith.constant 0 : i32
      %dma_start3A_106 = arith.constant 0 : i32
      %dma_start3A_107 = tpu.memref_slice %arg11[%scan3A_52, %dma_start3A_105, %dma_start3A_106] : memref<6x8x1024xf32, #tpu.memory_space<vmem>> -> memref<1x8x1024xf32, #tpu.memory_space<vmem>>
      %dma_start3A_108 = tpu.memref_squeeze %dma_start3A_107 : memref<1x8x1024xf32, #tpu.memory_space<vmem>> -> memref<8x1024xf32, #tpu.memory_space<vmem>>
      %dma_start3A_109 = arith.constant 0 : i32
      %dma_start3A_110 = tpu.memref_slice %arg2[%add3A_70, %dma_start3A_109] : memref<16384x1024xf32, #tpu.memory_space<hbm>> -> memref<8x1024xf32, #tpu.memory_space<hbm>>
      tpu.enqueue_dma source(%dma_start3A_110 : memref<8x1024xf32, #tpu.memory_space<hbm>>) target(%dma_start3A_108 : memref<8x1024xf32, #tpu.memory_space<vmem>>) target_semaphore(%arg14 : memref<!tpu.dma_semaphore, #tpu.memory_space<semaphore_mem>>)
      %add3A_111 = arith.constant 8 : i32
      %add3A_112 = arith.addi %mul3A_76, %add3A_111 : i32
      %dma_start3A_113 = arith.constant 0 : i32
      %dma_start3A_114 = arith.constant 0 : i32
      %dma_start3A_115 = tpu.memref_slice %arg11[%scan3A_53, %dma_start3A_113, %dma_start3A_114] : memref<6x8x1024xf32, #tpu.memory_space<vmem>> -> memref<1x8x1024xf32, #tpu.memory_space<vmem>>
      %dma_start3A_116 = tpu.memref_squeeze %dma_start3A_115 : memref<1x8x1024xf32, #tpu.memory_space<vmem>> -> memref<8x1024xf32, #tpu.memory_space<vmem>>
      %dma_start3A_117 = arith.constant 0 : i32
      %dma_start3A_118 = tpu.memref_slice %arg9[%scan3A, %dma_start3A_117] : memref<2x512xi32, #tpu.memory_space<vmem>> -> memref<1x512xi32, #tpu.memory_space<vmem>>
      %dma_start3A_119 = tpu.memref_squeeze %dma_start3A_118 : memref<1x512xi32, #tpu.memory_space<vmem>> -> memref<512xi32, #tpu.memory_space<vmem>>
      %dma_start3A_120 = tpu.memref_slice %dma_start3A_119[%add3A_112] : memref<512xi32, #tpu.memory_space<vmem>> -> memref<8xi32, #tpu.memory_space<vmem>>
      %dma_start3A_121 = arith.constant 0 : i32
      %dma_start3A_122 = arith.constant 0 : i32
      %dma_start3A_123 = tpu.memref_slice %arg6[%dma_start3A_121, %dma_start3A_122] : memref<5000x1024xf32, #tpu.memory_space<hbm>> -> memref<5000x1024xf32, #tpu.memory_space<hbm>>
      tpu.enqueue_indirect_dma source(%dma_start3A_123 : memref<5000x1024xf32, #tpu.memory_space<hbm>>) target(%dma_start3A_116 : memref<8x1024xf32, #tpu.memory_space<vmem>>) offsets(%dma_start3A_120 : memref<8xi32, #tpu.memory_space<vmem>>) semaphore(%arg15 : memref<!tpu.dma_semaphore, #tpu.memory_space<semaphore_mem>>)
      %dma_start3A_124 = arith.constant 0 : i32
      %dma_start3A_125 = arith.constant 0 : i32
      %dma_start3A_126 = tpu.memref_slice %arg11[%scan3A_54, %dma_start3A_124, %dma_start3A_125] : memref<6x8x1024xf32, #tpu.memory_space<vmem>> -> memref<1x8x1024xf32, #tpu.memory_space<vmem>>
      %dma_start3A_127 = tpu.memref_squeeze %dma_start3A_126 : memref<1x8x1024xf32, #tpu.memory_space<vmem>> -> memref<8x1024xf32, #tpu.memory_space<vmem>>
      %dma_start3A_128 = arith.constant 0 : i32
      %dma_start3A_129 = tpu.memref_slice %arg9[%scan3A_50, %dma_start3A_128] : memref<2x512xi32, #tpu.memory_space<vmem>> -> memref<1x512xi32, #tpu.memory_space<vmem>>
      %dma_start3A_130 = tpu.memref_squeeze %dma_start3A_129 : memref<1x512xi32, #tpu.memory_space<vmem>> -> memref<512xi32, #tpu.memory_space<vmem>>
      %dma_start3A_131 = tpu.memref_slice %dma_start3A_130[%add3A_112] : memref<512xi32, #tpu.memory_space<vmem>> -> memref<8xi32, #tpu.memory_space<vmem>>
      %dma_start3A_132 = arith.constant 0 : i32
      %dma_start3A_133 = arith.constant 0 : i32
      %dma_start3A_134 = tpu.memref_slice %arg7[%dma_start3A_132, %dma_start3A_133] : memref<1000x1024xf32, #tpu.memory_space<hbm>> -> memref<1000x1024xf32, #tpu.memory_space<hbm>>
      tpu.enqueue_indirect_dma source(%dma_start3A_134 : memref<1000x1024xf32, #tpu.memory_space<hbm>>) target(%dma_start3A_127 : memref<8x1024xf32, #tpu.memory_space<vmem>>) offsets(%dma_start3A_131 : memref<8xi32, #tpu.memory_space<vmem>>) semaphore(%arg15 : memref<!tpu.dma_semaphore, #tpu.memory_space<semaphore_mem>>)
      %dma_start3A_135 = arith.constant 0 : i32
      %dma_start3A_136 = arith.constant 0 : i32
      %dma_start3A_137 = tpu.memref_slice %arg11[%scan3A_55, %dma_start3A_135, %dma_start3A_136] : memref<6x8x1024xf32, #tpu.memory_space<vmem>> -> memref<1x8x1024xf32, #tpu.memory_space<vmem>>
      %dma_start3A_138 = tpu.memref_squeeze %dma_start3A_137 : memref<1x8x1024xf32, #tpu.memory_space<vmem>> -> memref<8x1024xf32, #tpu.memory_space<vmem>>
      %dma_start3A_139 = arith.constant 0 : i32
      %dma_start3A_140 = tpu.memref_slice %arg2[%add3A_72, %dma_start3A_139] : memref<16384x1024xf32, #tpu.memory_space<hbm>> -> memref<8x1024xf32, #tpu.memory_space<hbm>>
      %dma_start3A_141 = arith.constant 0 : i32
      %dma_start3A_142 = arith.constant 0 : i32
      %dma_start3A_143 = tpu.memref_slice %arg11[%scan3A_55, %dma_start3A_141, %dma_start3A_142] : memref<6x8x1024xf32, #tpu.memory_space<vmem>> -> memref<1x8x1024xf32, #tpu.memory_space<vmem>>
      %dma_start3A_144 = tpu.memref_squeeze %dma_start3A_143 : memref<1x8x1024xf32, #tpu.memory_space<vmem>> -> memref<8x1024xf32, #tpu.memory_space<vmem>>
      %dma_start3A_145 = arith.constant 0 : i32
      %dma_start3A_146 = tpu.memref_slice %arg2[%add3A_72, %dma_start3A_145] : memref<16384x1024xf32, #tpu.memory_space<hbm>> -> memref<8x1024xf32, #tpu.memory_space<hbm>>
      tpu.enqueue_dma source(%dma_start3A_146 : memref<8x1024xf32, #tpu.memory_space<hbm>>) target(%dma_start3A_144 : memref<8x1024xf32, #tpu.memory_space<vmem>>) target_semaphore(%arg15 : memref<!tpu.dma_semaphore, #tpu.memory_space<semaphore_mem>>)
      %dma_wait3A_147 = arith.constant 0 : i32
      %dma_wait3A_148 = arith.constant 0 : i32
      %dma_wait3A_149 = tpu.memref_slice %arg11[%scan3A_49, %dma_wait3A_147, %dma_wait3A_148] : memref<6x8x1024xf32, #tpu.memory_space<vmem>> -> memref<1x8x1024xf32, #tpu.memory_space<vmem>>
      %dma_wait3A_150 = tpu.memref_squeeze %dma_wait3A_149 : memref<1x8x1024xf32, #tpu.memory_space<vmem>> -> memref<8x1024xf32, #tpu.memory_space<vmem>>
      %dma_wait3A_151 = arith.constant 0 : i32
      %dma_wait3A_152 = tpu.memref_slice %arg9[%scan3A, %dma_wait3A_151] : memref<2x512xi32, #tpu.memory_space<vmem>> -> memref<1x512xi32, #tpu.memory_space<vmem>>
      %dma_wait3A_153 = tpu.memref_squeeze %dma_wait3A_152 : memref<1x512xi32, #tpu.memory_space<vmem>> -> memref<512xi32, #tpu.memory_space<vmem>>
      %dma_wait3A_154 = tpu.memref_slice %dma_wait3A_153[%mul3A_76] : memref<512xi32, #tpu.memory_space<vmem>> -> memref<8xi32, #tpu.memory_space<vmem>>
      %dma_wait3A_155 = arith.constant 0 : i32
      %dma_wait3A_156 = arith.constant 0 : i32
      %dma_wait3A_157 = tpu.memref_slice %arg6[%dma_wait3A_155, %dma_wait3A_156] : memref<5000x1024xf32, #tpu.memory_space<hbm>> -> memref<5000x1024xf32, #tpu.memory_space<hbm>>
      tpu.wait_indirect_dma semaphore(%arg14 : memref<!tpu.dma_semaphore, #tpu.memory_space<semaphore_mem>>) src(%dma_wait3A_157 : memref<5000x1024xf32, #tpu.memory_space<hbm>>) dst(%dma_wait3A_150 : memref<8x1024xf32, #tpu.memory_space<vmem>>)
      %dma_wait3A_158 = arith.constant 0 : i32
      %dma_wait3A_159 = arith.constant 0 : i32
      %dma_wait3A_160 = tpu.memref_slice %arg11[%scan3A_51, %dma_wait3A_158, %dma_wait3A_159] : memref<6x8x1024xf32, #tpu.memory_space<vmem>> -> memref<1x8x1024xf32, #tpu.memory_space<vmem>>
      %dma_wait3A_161 = tpu.memref_squeeze %dma_wait3A_160 : memref<1x8x1024xf32, #tpu.memory_space<vmem>> -> memref<8x1024xf32, #tpu.memory_space<vmem>>
      %dma_wait3A_162 = arith.constant 0 : i32
      %dma_wait3A_163 = tpu.memref_slice %arg9[%scan3A_50, %dma_wait3A_162] : memref<2x512xi32, #tpu.memory_space<vmem>> -> memref<1x512xi32, #tpu.memory_space<vmem>>
      %dma_wait3A_164 = tpu.memref_squeeze %dma_wait3A_163 : memref<1x512xi32, #tpu.memory_space<vmem>> -> memref<512xi32, #tpu.memory_space<vmem>>
      %dma_wait3A_165 = tpu.memref_slice %dma_wait3A_164[%mul3A_76] : memref<512xi32, #tpu.memory_space<vmem>> -> memref<8xi32, #tpu.memory_space<vmem>>
      %dma_wait3A_166 = arith.constant 0 : i32
      %dma_wait3A_167 = arith.constant 0 : i32
      %dma_wait3A_168 = tpu.memref_slice %arg7[%dma_wait3A_166, %dma_wait3A_167] : memref<1000x1024xf32, #tpu.memory_space<hbm>> -> memref<1000x1024xf32, #tpu.memory_space<hbm>>
      tpu.wait_indirect_dma semaphore(%arg14 : memref<!tpu.dma_semaphore, #tpu.memory_space<semaphore_mem>>) src(%dma_wait3A_168 : memref<1000x1024xf32, #tpu.memory_space<hbm>>) dst(%dma_wait3A_161 : memref<8x1024xf32, #tpu.memory_space<vmem>>)
      %dma_wait3A_169 = arith.constant 0 : i32
      %dma_wait3A_170 = arith.constant 0 : i32
      %dma_wait3A_171 = tpu.memref_slice %arg11[%scan3A_52, %dma_wait3A_169, %dma_wait3A_170] : memref<6x8x1024xf32, #tpu.memory_space<vmem>> -> memref<1x8x1024xf32, #tpu.memory_space<vmem>>
      %dma_wait3A_172 = tpu.memref_squeeze %dma_wait3A_171 : memref<1x8x1024xf32, #tpu.memory_space<vmem>> -> memref<8x1024xf32, #tpu.memory_space<vmem>>
      %dma_wait3A_173 = arith.constant 0 : i32
      %dma_wait3A_174 = tpu.memref_slice %arg2[%add3A_70, %dma_wait3A_173] : memref<16384x1024xf32, #tpu.memory_space<hbm>> -> memref<8x1024xf32, #tpu.memory_space<hbm>>
      %dma_wait3A_175 = arith.constant 0 : i32
      %dma_wait3A_176 = arith.constant 0 : i32
      %dma_wait3A_177 = tpu.memref_slice %arg11[%scan3A_52, %dma_wait3A_175, %dma_wait3A_176] : memref<6x8x1024xf32, #tpu.memory_space<vmem>> -> memref<1x8x1024xf32, #tpu.memory_space<vmem>>
      %dma_wait3A_178 = tpu.memref_squeeze %dma_wait3A_177 : memref<1x8x1024xf32, #tpu.memory_space<vmem>> -> memref<8x1024xf32, #tpu.memory_space<vmem>>
      %dma_wait3A_179 = arith.constant 0 : i32
      %dma_wait3A_180 = tpu.memref_slice %arg2[%add3A_70, %dma_wait3A_179] : memref<16384x1024xf32, #tpu.memory_space<hbm>> -> memref<8x1024xf32, #tpu.memory_space<hbm>>
      tpu.wait_dma2 semaphore(%arg14 : memref<!tpu.dma_semaphore, #tpu.memory_space<semaphore_mem>>) src(%dma_wait3A_180 : memref<8x1024xf32, #tpu.memory_space<hbm>>) dst(%dma_wait3A_178 : memref<8x1024xf32, #tpu.memory_space<vmem>>)
      %dma_start3A_181 = arith.constant 0 : i32
      %dma_start3A_182 = arith.constant 0 : i32
      %dma_start3A_183 = tpu.memref_slice %arg11[%scan3A_52, %dma_start3A_181, %dma_start3A_182] : memref<6x8x1024xf32, #tpu.memory_space<vmem>> -> memref<1x8x1024xf32, #tpu.memory_space<vmem>>
      %dma_start3A_184 = tpu.memref_squeeze %dma_start3A_183 : memref<1x8x1024xf32, #tpu.memory_space<vmem>> -> memref<8x1024xf32, #tpu.memory_space<vmem>>
      %dma_start3A_185 = arith.constant 0 : i32
      %dma_start3A_186 = tpu.memref_slice %arg8[%add3A_70, %dma_start3A_185] : memref<16384x3073xf32, #tpu.memory_space<hbm>> -> memref<8x1024xf32, #tpu.memory_space<hbm>>
      %dma_start3A_187 = arith.constant 0 : i32
      %dma_start3A_188 = tpu.memref_slice %arg8[%add3A_70, %dma_start3A_187] : memref<16384x3073xf32, #tpu.memory_space<hbm>> -> memref<8x1024xf32, #tpu.memory_space<hbm>>
      %dma_start3A_189 = arith.constant 0 : i32
      %dma_start3A_190 = arith.constant 0 : i32
      %dma_start3A_191 = tpu.memref_slice %arg11[%scan3A_52, %dma_start3A_189, %dma_start3A_190] : memref<6x8x1024xf32, #tpu.memory_space<vmem>> -> memref<1x8x1024xf32, #tpu.memory_space<vmem>>
      %dma_start3A_192 = tpu.memref_squeeze %dma_start3A_191 : memref<1x8x1024xf32, #tpu.memory_space<vmem>> -> memref<8x1024xf32, #tpu.memory_space<vmem>>
      tpu.enqueue_dma source(%dma_start3A_192 : memref<8x1024xf32, #tpu.memory_space<vmem>>) target(%dma_start3A_188 : memref<8x1024xf32, #tpu.memory_space<hbm>>) target_semaphore(%arg16 : memref<!tpu.dma_semaphore, #tpu.memory_space<semaphore_mem>>)
      %dma_start3A_193 = arith.constant 0 : i32
      %dma_start3A_194 = arith.constant 0 : i32
      %dma_start3A_195 = tpu.memref_slice %arg11[%scan3A_49, %dma_start3A_193, %dma_start3A_194] : memref<6x8x1024xf32, #tpu.memory_space<vmem>> -> memref<1x8x1024xf32, #tpu.memory_space<vmem>>
      %dma_start3A_196 = tpu.memref_squeeze %dma_start3A_195 : memref<1x8x1024xf32, #tpu.memory_space<vmem>> -> memref<8x1024xf32, #tpu.memory_space<vmem>>
      %dma_start3A_197 = arith.constant 1024 : i32
      %dma_start3A_198 = tpu.memref_slice %arg8[%add3A_70, %dma_start3A_197] : memref<16384x3073xf32, #tpu.memory_space<hbm>> -> memref<8x1024xf32, #tpu.memory_space<hbm>>
      %dma_start3A_199 = arith.constant 1024 : i32
      %dma_start3A_200 = tpu.memref_slice %arg8[%add3A_70, %dma_start3A_199] : memref<16384x3073xf32, #tpu.memory_space<hbm>> -> memref<8x1024xf32, #tpu.memory_space<hbm>>
      %dma_start3A_201 = arith.constant 0 : i32
      %dma_start3A_202 = arith.constant 0 : i32
      %dma_start3A_203 = tpu.memref_slice %arg11[%scan3A_49, %dma_start3A_201, %dma_start3A_202] : memref<6x8x1024xf32, #tpu.memory_space<vmem>> -> memref<1x8x1024xf32, #tpu.memory_space<vmem>>
      %dma_start3A_204 = tpu.memref_squeeze %dma_start3A_203 : memref<1x8x1024xf32, #tpu.memory_space<vmem>> -> memref<8x1024xf32, #tpu.memory_space<vmem>>
      tpu.enqueue_dma source(%dma_start3A_204 : memref<8x1024xf32, #tpu.memory_space<vmem>>) target(%dma_start3A_200 : memref<8x1024xf32, #tpu.memory_space<hbm>>) target_semaphore(%arg16 : memref<!tpu.dma_semaphore, #tpu.memory_space<semaphore_mem>>)
      %dma_start3A_205 = arith.constant 0 : i32
      %dma_start3A_206 = arith.constant 0 : i32
      %dma_start3A_207 = tpu.memref_slice %arg11[%scan3A_51, %dma_start3A_205, %dma_start3A_206] : memref<6x8x1024xf32, #tpu.memory_space<vmem>> -> memref<1x8x1024xf32, #tpu.memory_space<vmem>>
      %dma_start3A_208 = tpu.memref_squeeze %dma_start3A_207 : memref<1x8x1024xf32, #tpu.memory_space<vmem>> -> memref<8x1024xf32, #tpu.memory_space<vmem>>
      %dma_start3A_209 = arith.constant 2048 : i32
      %dma_start3A_210 = tpu.memref_slice %arg8[%add3A_70, %dma_start3A_209] : memref<16384x3073xf32, #tpu.memory_space<hbm>> -> memref<8x1024xf32, #tpu.memory_space<hbm>>
      %dma_start3A_211 = arith.constant 2048 : i32
      %dma_start3A_212 = tpu.memref_slice %arg8[%add3A_70, %dma_start3A_211] : memref<16384x3073xf32, #tpu.memory_space<hbm>> -> memref<8x1024xf32, #tpu.memory_space<hbm>>
      %dma_start3A_213 = arith.constant 0 : i32
      %dma_start3A_214 = arith.constant 0 : i32
      %dma_start3A_215 = tpu.memref_slice %arg11[%scan3A_51, %dma_start3A_213, %dma_start3A_214] : memref<6x8x1024xf32, #tpu.memory_space<vmem>> -> memref<1x8x1024xf32, #tpu.memory_space<vmem>>
      %dma_start3A_216 = tpu.memref_squeeze %dma_start3A_215 : memref<1x8x1024xf32, #tpu.memory_space<vmem>> -> memref<8x1024xf32, #tpu.memory_space<vmem>>
      tpu.enqueue_dma source(%dma_start3A_216 : memref<8x1024xf32, #tpu.memory_space<vmem>>) target(%dma_start3A_212 : memref<8x1024xf32, #tpu.memory_space<hbm>>) target_semaphore(%arg16 : memref<!tpu.dma_semaphore, #tpu.memory_space<semaphore_mem>>)
      %dma_wait3A_217 = arith.constant 0 : i32
      %dma_wait3A_218 = arith.constant 0 : i32
      %dma_wait3A_219 = tpu.memref_slice %arg11[%scan3A_53, %dma_wait3A_217, %dma_wait3A_218] : memref<6x8x1024xf32, #tpu.memory_space<vmem>> -> memref<1x8x1024xf32, #tpu.memory_space<vmem>>
      %dma_wait3A_220 = tpu.memref_squeeze %dma_wait3A_219 : memref<1x8x1024xf32, #tpu.memory_space<vmem>> -> memref<8x1024xf32, #tpu.memory_space<vmem>>
      %dma_wait3A_221 = arith.constant 0 : i32
      %dma_wait3A_222 = tpu.memref_slice %arg9[%scan3A, %dma_wait3A_221] : memref<2x512xi32, #tpu.memory_space<vmem>> -> memref<1x512xi32, #tpu.memory_space<vmem>>
      %dma_wait3A_223 = tpu.memref_squeeze %dma_wait3A_222 : memref<1x512xi32, #tpu.memory_space<vmem>> -> memref<512xi32, #tpu.memory_space<vmem>>
      %dma_wait3A_224 = tpu.memref_slice %dma_wait3A_223[%add3A_112] : memref<512xi32, #tpu.memory_space<vmem>> -> memref<8xi32, #tpu.memory_space<vmem>>
      %dma_wait3A_225 = arith.constant 0 : i32
      %dma_wait3A_226 = arith.constant 0 : i32
      %dma_wait3A_227 = tpu.memref_slice %arg6[%dma_wait3A_225, %dma_wait3A_226] : memref<5000x1024xf32, #tpu.memory_space<hbm>> -> memref<5000x1024xf32, #tpu.memory_space<hbm>>
      tpu.wait_indirect_dma semaphore(%arg15 : memref<!tpu.dma_semaphore, #tpu.memory_space<semaphore_mem>>) src(%dma_wait3A_227 : memref<5000x1024xf32, #tpu.memory_space<hbm>>) dst(%dma_wait3A_220 : memref<8x1024xf32, #tpu.memory_space<vmem>>)
      %dma_wait3A_228 = arith.constant 0 : i32
      %dma_wait3A_229 = arith.constant 0 : i32
      %dma_wait3A_230 = tpu.memref_slice %arg11[%scan3A_54, %dma_wait3A_228, %dma_wait3A_229] : memref<6x8x1024xf32, #tpu.memory_space<vmem>> -> memref<1x8x1024xf32, #tpu.memory_space<vmem>>
      %dma_wait3A_231 = tpu.memref_squeeze %dma_wait3A_230 : memref<1x8x1024xf32, #tpu.memory_space<vmem>> -> memref<8x1024xf32, #tpu.memory_space<vmem>>
      %dma_wait3A_232 = arith.constant 0 : i32
      %dma_wait3A_233 = tpu.memref_slice %arg9[%scan3A_50, %dma_wait3A_232] : memref<2x512xi32, #tpu.memory_space<vmem>> -> memref<1x512xi32, #tpu.memory_space<vmem>>
      %dma_wait3A_234 = tpu.memref_squeeze %dma_wait3A_233 : memref<1x512xi32, #tpu.memory_space<vmem>> -> memref<512xi32, #tpu.memory_space<vmem>>
      %dma_wait3A_235 = tpu.memref_slice %dma_wait3A_234[%add3A_112] : memref<512xi32, #tpu.memory_space<vmem>> -> memref<8xi32, #tpu.memory_space<vmem>>
      %dma_wait3A_236 = arith.constant 0 : i32
      %dma_wait3A_237 = arith.constant 0 : i32
      %dma_wait3A_238 = tpu.memref_slice %arg7[%dma_wait3A_236, %dma_wait3A_237] : memref<1000x1024xf32, #tpu.memory_space<hbm>> -> memref<1000x1024xf32, #tpu.memory_space<hbm>>
      tpu.wait_indirect_dma semaphore(%arg15 : memref<!tpu.dma_semaphore, #tpu.memory_space<semaphore_mem>>) src(%dma_wait3A_238 : memref<1000x1024xf32, #tpu.memory_space<hbm>>) dst(%dma_wait3A_231 : memref<8x1024xf32, #tpu.memory_space<vmem>>)
      %dma_wait3A_239 = arith.constant 0 : i32
      %dma_wait3A_240 = arith.constant 0 : i32
      %dma_wait3A_241 = tpu.memref_slice %arg11[%scan3A_55, %dma_wait3A_239, %dma_wait3A_240] : memref<6x8x1024xf32, #tpu.memory_space<vmem>> -> memref<1x8x1024xf32, #tpu.memory_space<vmem>>
      %dma_wait3A_242 = tpu.memref_squeeze %dma_wait3A_241 : memref<1x8x1024xf32, #tpu.memory_space<vmem>> -> memref<8x1024xf32, #tpu.memory_space<vmem>>
      %dma_wait3A_243 = arith.constant 0 : i32
      %dma_wait3A_244 = tpu.memref_slice %arg2[%add3A_72, %dma_wait3A_243] : memref<16384x1024xf32, #tpu.memory_space<hbm>> -> memref<8x1024xf32, #tpu.memory_space<hbm>>
      %dma_wait3A_245 = arith.constant 0 : i32
      %dma_wait3A_246 = arith.constant 0 : i32
      %dma_wait3A_247 = tpu.memref_slice %arg11[%scan3A_55, %dma_wait3A_245, %dma_wait3A_246] : memref<6x8x1024xf32, #tpu.memory_space<vmem>> -> memref<1x8x1024xf32, #tpu.memory_space<vmem>>
      %dma_wait3A_248 = tpu.memref_squeeze %dma_wait3A_247 : memref<1x8x1024xf32, #tpu.memory_space<vmem>> -> memref<8x1024xf32, #tpu.memory_space<vmem>>
      %dma_wait3A_249 = arith.constant 0 : i32
      %dma_wait3A_250 = tpu.memref_slice %arg2[%add3A_72, %dma_wait3A_249] : memref<16384x1024xf32, #tpu.memory_space<hbm>> -> memref<8x1024xf32, #tpu.memory_space<hbm>>
      tpu.wait_dma2 semaphore(%arg15 : memref<!tpu.dma_semaphore, #tpu.memory_space<semaphore_mem>>) src(%dma_wait3A_250 : memref<8x1024xf32, #tpu.memory_space<hbm>>) dst(%dma_wait3A_248 : memref<8x1024xf32, #tpu.memory_space<vmem>>)
      %dma_start3A_251 = arith.constant 0 : i32
      %dma_start3A_252 = arith.constant 0 : i32
      %dma_start3A_253 = tpu.memref_slice %arg11[%scan3A_55, %dma_start3A_251, %dma_start3A_252] : memref<6x8x1024xf32, #tpu.memory_space<vmem>> -> memref<1x8x1024xf32, #tpu.memory_space<vmem>>
      %dma_start3A_254 = tpu.memref_squeeze %dma_start3A_253 : memref<1x8x1024xf32, #tpu.memory_space<vmem>> -> memref<8x1024xf32, #tpu.memory_space<vmem>>
      %dma_start3A_255 = arith.constant 0 : i32
      %dma_start3A_256 = tpu.memref_slice %arg8[%add3A_72, %dma_start3A_255] : memref<16384x3073xf32, #tpu.memory_space<hbm>> -> memref<8x1024xf32, #tpu.memory_space<hbm>>
      %dma_start3A_257 = arith.constant 0 : i32
      %dma_start3A_258 = tpu.memref_slice %arg8[%add3A_72, %dma_start3A_257] : memref<16384x3073xf32, #tpu.memory_space<hbm>> -> memref<8x1024xf32, #tpu.memory_space<hbm>>
      %dma_start3A_259 = arith.constant 0 : i32
      %dma_start3A_260 = arith.constant 0 : i32
      %dma_start3A_261 = tpu.memref_slice %arg11[%scan3A_55, %dma_start3A_259, %dma_start3A_260] : memref<6x8x1024xf32, #tpu.memory_space<vmem>> -> memref<1x8x1024xf32, #tpu.memory_space<vmem>>
      %dma_start3A_262 = tpu.memref_squeeze %dma_start3A_261 : memref<1x8x1024xf32, #tpu.memory_space<vmem>> -> memref<8x1024xf32, #tpu.memory_space<vmem>>
      tpu.enqueue_dma source(%dma_start3A_262 : memref<8x1024xf32, #tpu.memory_space<vmem>>) target(%dma_start3A_258 : memref<8x1024xf32, #tpu.memory_space<hbm>>) target_semaphore(%arg16 : memref<!tpu.dma_semaphore, #tpu.memory_space<semaphore_mem>>)
      %dma_start3A_263 = arith.constant 0 : i32
      %dma_start3A_264 = arith.constant 0 : i32
      %dma_start3A_265 = tpu.memref_slice %arg11[%scan3A_53, %dma_start3A_263, %dma_start3A_264] : memref<6x8x1024xf32, #tpu.memory_space<vmem>> -> memref<1x8x1024xf32, #tpu.memory_space<vmem>>
      %dma_start3A_266 = tpu.memref_squeeze %dma_start3A_265 : memref<1x8x1024xf32, #tpu.memory_space<vmem>> -> memref<8x1024xf32, #tpu.memory_space<vmem>>
      %dma_start3A_267 = arith.constant 1024 : i32
      %dma_start3A_268 = tpu.memref_slice %arg8[%add3A_72, %dma_start3A_267] : memref<16384x3073xf32, #tpu.memory_space<hbm>> -> memref<8x1024xf32, #tpu.memory_space<hbm>>
      %dma_start3A_269 = arith.constant 1024 : i32
      %dma_start3A_270 = tpu.memref_slice %arg8[%add3A_72, %dma_start3A_269] : memref<16384x3073xf32, #tpu.memory_space<hbm>> -> memref<8x1024xf32, #tpu.memory_space<hbm>>
      %dma_start3A_271 = arith.constant 0 : i32
      %dma_start3A_272 = arith.constant 0 : i32
      %dma_start3A_273 = tpu.memref_slice %arg11[%scan3A_53, %dma_start3A_271, %dma_start3A_272] : memref<6x8x1024xf32, #tpu.memory_space<vmem>> -> memref<1x8x1024xf32, #tpu.memory_space<vmem>>
      %dma_start3A_274 = tpu.memref_squeeze %dma_start3A_273 : memref<1x8x1024xf32, #tpu.memory_space<vmem>> -> memref<8x1024xf32, #tpu.memory_space<vmem>>
      tpu.enqueue_dma source(%dma_start3A_274 : memref<8x1024xf32, #tpu.memory_space<vmem>>) target(%dma_start3A_270 : memref<8x1024xf32, #tpu.memory_space<hbm>>) target_semaphore(%arg16 : memref<!tpu.dma_semaphore, #tpu.memory_space<semaphore_mem>>)
      %dma_start3A_275 = arith.constant 0 : i32
      %dma_start3A_276 = arith.constant 0 : i32
      %dma_start3A_277 = tpu.memref_slice %arg11[%scan3A_54, %dma_start3A_275, %dma_start3A_276] : memref<6x8x1024xf32, #tpu.memory_space<vmem>> -> memref<1x8x1024xf32, #tpu.memory_space<vmem>>
      %dma_start3A_278 = tpu.memref_squeeze %dma_start3A_277 : memref<1x8x1024xf32, #tpu.memory_space<vmem>> -> memref<8x1024xf32, #tpu.memory_space<vmem>>
      %dma_start3A_279 = arith.constant 2048 : i32
      %dma_start3A_280 = tpu.memref_slice %arg8[%add3A_72, %dma_start3A_279] : memref<16384x3073xf32, #tpu.memory_space<hbm>> -> memref<8x1024xf32, #tpu.memory_space<hbm>>
      %dma_start3A_281 = arith.constant 2048 : i32
      %dma_start3A_282 = tpu.memref_slice %arg8[%add3A_72, %dma_start3A_281] : memref<16384x3073xf32, #tpu.memory_space<hbm>> -> memref<8x1024xf32, #tpu.memory_space<hbm>>
      %dma_start3A_283 = arith.constant 0 : i32
      %dma_start3A_284 = arith.constant 0 : i32
      %dma_start3A_285 = tpu.memref_slice %arg11[%scan3A_54, %dma_start3A_283, %dma_start3A_284] : memref<6x8x1024xf32, #tpu.memory_space<vmem>> -> memref<1x8x1024xf32, #tpu.memory_space<vmem>>
      %dma_start3A_286 = tpu.memref_squeeze %dma_start3A_285 : memref<1x8x1024xf32, #tpu.memory_space<vmem>> -> memref<8x1024xf32, #tpu.memory_space<vmem>>
      tpu.enqueue_dma source(%dma_start3A_286 : memref<8x1024xf32, #tpu.memory_space<vmem>>) target(%dma_start3A_282 : memref<8x1024xf32, #tpu.memory_space<hbm>>) target_semaphore(%arg16 : memref<!tpu.dma_semaphore, #tpu.memory_space<semaphore_mem>>)
      %dma_wait3A_287 = arith.constant 0 : i32
      %dma_wait3A_288 = arith.constant 0 : i32
      %dma_wait3A_289 = tpu.memref_slice %arg11[%scan3A_52, %dma_wait3A_287, %dma_wait3A_288] : memref<6x8x1024xf32, #tpu.memory_space<vmem>> -> memref<1x8x1024xf32, #tpu.memory_space<vmem>>
      %dma_wait3A_290 = tpu.memref_squeeze %dma_wait3A_289 : memref<1x8x1024xf32, #tpu.memory_space<vmem>> -> memref<8x1024xf32, #tpu.memory_space<vmem>>
      %dma_wait3A_291 = arith.constant 0 : i32
      %dma_wait3A_292 = tpu.memref_slice %arg8[%add3A_70, %dma_wait3A_291] : memref<16384x3073xf32, #tpu.memory_space<hbm>> -> memref<8x1024xf32, #tpu.memory_space<hbm>>
      %dma_wait3A_293 = arith.constant 0 : i32
      %dma_wait3A_294 = tpu.memref_slice %arg8[%add3A_70, %dma_wait3A_293] : memref<16384x3073xf32, #tpu.memory_space<hbm>> -> memref<8x1024xf32, #tpu.memory_space<hbm>>
      %dma_wait3A_295 = arith.constant 0 : i32
      %dma_wait3A_296 = arith.constant 0 : i32
      %dma_wait3A_297 = tpu.memref_slice %arg11[%scan3A_52, %dma_wait3A_295, %dma_wait3A_296] : memref<6x8x1024xf32, #tpu.memory_space<vmem>> -> memref<1x8x1024xf32, #tpu.memory_space<vmem>>
      %dma_wait3A_298 = tpu.memref_squeeze %dma_wait3A_297 : memref<1x8x1024xf32, #tpu.memory_space<vmem>> -> memref<8x1024xf32, #tpu.memory_space<vmem>>
      tpu.wait_dma2 semaphore(%arg16 : memref<!tpu.dma_semaphore, #tpu.memory_space<semaphore_mem>>) src(%dma_wait3A_298 : memref<8x1024xf32, #tpu.memory_space<vmem>>) dst(%dma_wait3A_294 : memref<8x1024xf32, #tpu.memory_space<hbm>>)
      %dma_wait3A_299 = arith.constant 0 : i32
      %dma_wait3A_300 = arith.constant 0 : i32
      %dma_wait3A_301 = tpu.memref_slice %arg11[%scan3A_49, %dma_wait3A_299, %dma_wait3A_300] : memref<6x8x1024xf32, #tpu.memory_space<vmem>> -> memref<1x8x1024xf32, #tpu.memory_space<vmem>>
      %dma_wait3A_302 = tpu.memref_squeeze %dma_wait3A_301 : memref<1x8x1024xf32, #tpu.memory_space<vmem>> -> memref<8x1024xf32, #tpu.memory_space<vmem>>
      %dma_wait3A_303 = arith.constant 1024 : i32
      %dma_wait3A_304 = tpu.memref_slice %arg8[%add3A_70, %dma_wait3A_303] : memref<16384x3073xf32, #tpu.memory_space<hbm>> -> memref<8x1024xf32, #tpu.memory_space<hbm>>
      %dma_wait3A_305 = arith.constant 1024 : i32
      %dma_wait3A_306 = tpu.memref_slice %arg8[%add3A_70, %dma_wait3A_305] : memref<16384x3073xf32, #tpu.memory_space<hbm>> -> memref<8x1024xf32, #tpu.memory_space<hbm>>
      %dma_wait3A_307 = arith.constant 0 : i32
      %dma_wait3A_308 = arith.constant 0 : i32
      %dma_wait3A_309 = tpu.memref_slice %arg11[%scan3A_49, %dma_wait3A_307, %dma_wait3A_308] : memref<6x8x1024xf32, #tpu.memory_space<vmem>> -> memref<1x8x1024xf32, #tpu.memory_space<vmem>>
      %dma_wait3A_310 = tpu.memref_squeeze %dma_wait3A_309 : memref<1x8x1024xf32, #tpu.memory_space<vmem>> -> memref<8x1024xf32, #tpu.memory_space<vmem>>
      tpu.wait_dma2 semaphore(%arg16 : memref<!tpu.dma_semaphore, #tpu.memory_space<semaphore_mem>>) src(%dma_wait3A_310 : memref<8x1024xf32, #tpu.memory_space<vmem>>) dst(%dma_wait3A_306 : memref<8x1024xf32, #tpu.memory_space<hbm>>)
      %dma_wait3A_311 = arith.constant 0 : i32
      %dma_wait3A_312 = arith.constant 0 : i32
      %dma_wait3A_313 = tpu.memref_slice %arg11[%scan3A_51, %dma_wait3A_311, %dma_wait3A_312] : memref<6x8x1024xf32, #tpu.memory_space<vmem>> -> memref<1x8x1024xf32, #tpu.memory_space<vmem>>
      %dma_wait3A_314 = tpu.memref_squeeze %dma_wait3A_313 : memref<1x8x1024xf32, #tpu.memory_space<vmem>> -> memref<8x1024xf32, #tpu.memory_space<vmem>>
      %dma_wait3A_315 = arith.constant 2048 : i32
      %dma_wait3A_316 = tpu.memref_slice %arg8[%add3A_70, %dma_wait3A_315] : memref<16384x3073xf32, #tpu.memory_space<hbm>> -> memref<8x1024xf32, #tpu.memory_space<hbm>>
      %dma_wait3A_317 = arith.constant 2048 : i32
      %dma_wait3A_318 = tpu.memref_slice %arg8[%add3A_70, %dma_wait3A_317] : memref<16384x3073xf32, #tpu.memory_space<hbm>> -> memref<8x1024xf32, #tpu.memory_space<hbm>>
      %dma_wait3A_319 = arith.constant 0 : i32
      %dma_wait3A_320 = arith.constant 0 : i32
      %dma_wait3A_321 = tpu.memref_slice %arg11[%scan3A_51, %dma_wait3A_319, %dma_wait3A_320] : memref<6x8x1024xf32, #tpu.memory_space<vmem>> -> memref<1x8x1024xf32, #tpu.memory_space<vmem>>
      %dma_wait3A_322 = tpu.memref_squeeze %dma_wait3A_321 : memref<1x8x1024xf32, #tpu.memory_space<vmem>> -> memref<8x1024xf32, #tpu.memory_space<vmem>>
      tpu.wait_dma2 semaphore(%arg16 : memref<!tpu.dma_semaphore, #tpu.memory_space<semaphore_mem>>) src(%dma_wait3A_322 : memref<8x1024xf32, #tpu.memory_space<vmem>>) dst(%dma_wait3A_318 : memref<8x1024xf32, #tpu.memory_space<hbm>>)
      %dma_wait3A_323 = arith.constant 0 : i32
      %dma_wait3A_324 = arith.constant 0 : i32
      %dma_wait3A_325 = tpu.memref_slice %arg11[%scan3A_55, %dma_wait3A_323, %dma_wait3A_324] : memref<6x8x1024xf32, #tpu.memory_space<vmem>> -> memref<1x8x1024xf32, #tpu.memory_space<vmem>>
      %dma_wait3A_326 = tpu.memref_squeeze %dma_wait3A_325 : memref<1x8x1024xf32, #tpu.memory_space<vmem>> -> memref<8x1024xf32, #tpu.memory_space<vmem>>
      %dma_wait3A_327 = arith.constant 0 : i32
      %dma_wait3A_328 = tpu.memref_slice %arg8[%add3A_72, %dma_wait3A_327] : memref<16384x3073xf32, #tpu.memory_space<hbm>> -> memref<8x1024xf32, #tpu.memory_space<hbm>>
      %dma_wait3A_329 = arith.constant 0 : i32
      %dma_wait3A_330 = tpu.memref_slice %arg8[%add3A_72, %dma_wait3A_329] : memref<16384x3073xf32, #tpu.memory_space<hbm>> -> memref<8x1024xf32, #tpu.memory_space<hbm>>
      %dma_wait3A_331 = arith.constant 0 : i32
      %dma_wait3A_332 = arith.constant 0 : i32
      %dma_wait3A_333 = tpu.memref_slice %arg11[%scan3A_55, %dma_wait3A_331, %dma_wait3A_332] : memref<6x8x1024xf32, #tpu.memory_space<vmem>> -> memref<1x8x1024xf32, #tpu.memory_space<vmem>>
      %dma_wait3A_334 = tpu.memref_squeeze %dma_wait3A_333 : memref<1x8x1024xf32, #tpu.memory_space<vmem>> -> memref<8x1024xf32, #tpu.memory_space<vmem>>
      tpu.wait_dma2 semaphore(%arg16 : memref<!tpu.dma_semaphore, #tpu.memory_space<semaphore_mem>>) src(%dma_wait3A_334 : memref<8x1024xf32, #tpu.memory_space<vmem>>) dst(%dma_wait3A_330 : memref<8x1024xf32, #tpu.memory_space<hbm>>)
      %dma_wait3A_335 = arith.constant 0 : i32
      %dma_wait3A_336 = arith.constant 0 : i32
      %dma_wait3A_337 = tpu.memref_slice %arg11[%scan3A_53, %dma_wait3A_335, %dma_wait3A_336] : memref<6x8x1024xf32, #tpu.memory_space<vmem>> -> memref<1x8x1024xf32, #tpu.memory_space<vmem>>
      %dma_wait3A_338 = tpu.memref_squeeze %dma_wait3A_337 : memref<1x8x1024xf32, #tpu.memory_space<vmem>> -> memref<8x1024xf32, #tpu.memory_space<vmem>>
      %dma_wait3A_339 = arith.constant 1024 : i32
      %dma_wait3A_340 = tpu.memref_slice %arg8[%add3A_72, %dma_wait3A_339] : memref<16384x3073xf32, #tpu.memory_space<hbm>> -> memref<8x1024xf32, #tpu.memory_space<hbm>>
      %dma_wait3A_341 = arith.constant 1024 : i32
      %dma_wait3A_342 = tpu.memref_slice %arg8[%add3A_72, %dma_wait3A_341] : memref<16384x3073xf32, #tpu.memory_space<hbm>> -> memref<8x1024xf32, #tpu.memory_space<hbm>>
      %dma_wait3A_343 = arith.constant 0 : i32
      %dma_wait3A_344 = arith.constant 0 : i32
      %dma_wait3A_345 = tpu.memref_slice %arg11[%scan3A_53, %dma_wait3A_343, %dma_wait3A_344] : memref<6x8x1024xf32, #tpu.memory_space<vmem>> -> memref<1x8x1024xf32, #tpu.memory_space<vmem>>
      %dma_wait3A_346 = tpu.memref_squeeze %dma_wait3A_345 : memref<1x8x1024xf32, #tpu.memory_space<vmem>> -> memref<8x1024xf32, #tpu.memory_space<vmem>>
      tpu.wait_dma2 semaphore(%arg16 : memref<!tpu.dma_semaphore, #tpu.memory_space<semaphore_mem>>) src(%dma_wait3A_346 : memref<8x1024xf32, #tpu.memory_space<vmem>>) dst(%dma_wait3A_342 : memref<8x1024xf32, #tpu.memory_space<hbm>>)
      %dma_wait3A_347 = arith.constant 0 : i32
      %dma_wait3A_348 = arith.constant 0 : i32
      %dma_wait3A_349 = tpu.memref_slice %arg11[%scan3A_54, %dma_wait3A_347, %dma_wait3A_348] : memref<6x8x1024xf32, #tpu.memory_space<vmem>> -> memref<1x8x1024xf32, #tpu.memory_space<vmem>>
      %dma_wait3A_350 = tpu.memref_squeeze %dma_wait3A_349 : memref<1x8x1024xf32, #tpu.memory_space<vmem>> -> memref<8x1024xf32, #tpu.memory_space<vmem>>
      %dma_wait3A_351 = arith.constant 2048 : i32
      %dma_wait3A_352 = tpu.memref_slice %arg8[%add3A_72, %dma_wait3A_351] : memref<16384x3073xf32, #tpu.memory_space<hbm>> -> memref<8x1024xf32, #tpu.memory_space<hbm>>
      %dma_wait3A_353 = arith.constant 2048 : i32
      %dma_wait3A_354 = tpu.memref_slice %arg8[%add3A_72, %dma_wait3A_353] : memref<16384x3073xf32, #tpu.memory_space<hbm>> -> memref<8x1024xf32, #tpu.memory_space<hbm>>
      %dma_wait3A_355 = arith.constant 0 : i32
      %dma_wait3A_356 = arith.constant 0 : i32
      %dma_wait3A_357 = tpu.memref_slice %arg11[%scan3A_54, %dma_wait3A_355, %dma_wait3A_356] : memref<6x8x1024xf32, #tpu.memory_space<vmem>> -> memref<1x8x1024xf32, #tpu.memory_space<vmem>>
      %dma_wait3A_358 = tpu.memref_squeeze %dma_wait3A_357 : memref<1x8x1024xf32, #tpu.memory_space<vmem>> -> memref<8x1024xf32, #tpu.memory_space<vmem>>
      tpu.wait_dma2 semaphore(%arg16 : memref<!tpu.dma_semaphore, #tpu.memory_space<semaphore_mem>>) src(%dma_wait3A_358 : memref<8x1024xf32, #tpu.memory_space<vmem>>) dst(%dma_wait3A_354 : memref<8x1024xf32, #tpu.memory_space<hbm>>)
    }
    %scan3A_60 = arith.constant 32 : i32
    %dma_wait3A_61 = arith.constant 3072 : i32
    %dma_wait3A_62 = tpu.memref_slice %arg8[%mul3A_2, %dma_wait3A_61] : memref<16384x3073xf32, #tpu.memory_space<hbm>> -> memref<512x1xf32, #tpu.memory_space<hbm>>
    %dma_wait3A_63 = arith.constant 3072 : i32
    %dma_wait3A_64 = tpu.memref_slice %arg8[%mul3A_2, %dma_wait3A_63] : memref<16384x3073xf32, #tpu.memory_space<hbm>> -> memref<512x1xf32, #tpu.memory_space<hbm>>
    tpu.wait_dma2 semaphore(%arg13 : memref<!tpu.dma_semaphore, #tpu.memory_space<semaphore_mem>>) src(%arg10 : memref<512x1xf32, #tpu.memory_space<vmem>>) dst(%dma_wait3A_64 : memref<512x1xf32, #tpu.memory_space<hbm>>)
    return
  }
}

</mosaic_0001>

<sc_bundles>
// kernel: kernel.3.cloned.1.call-start
scs
__scs_entry_jumppad:
0x0: {  	(pc) =	sbr.rel $0x88, $3  }
0x1: {  	(tag) =	ssettag $0x0;
	lr =	simm.s32 $0x1  }
0x2: {  	[smem:$0x3F9B] =	sst lr;
	_ =	strace $0xD0000000  }
0x3: {  	_ = 	snop  }
0x4: {  	_ = 	snop  }
0x5: {  	_ = 	snop  }
0x6: {  	_ = 	snop  }
0x7: {  	_ = 	snop  }
__scs_overlays_trampoline_lowered:
0x8: {  	[smem:$0x3FAA] =	sst s0  }
0x9: {  	[smem:$0x3FAB] =	sst s1  }
0xa: {  	[smem:$0x3FAC] =	sst s2  }
0xb: {  	[smem:$0x3FAD] =	sst s3  }
0xc: {  	[smem:$0x3FAE] =	sst s4  }
0xd: {  	[smem:$0x3FAF] =	sst s5  }
0xe: {  	[smem:$0x3FB0] =	sst s6  }
0xf: {  	[smem:$0x3FB1] =	sst s7  }
0x10: {  	[smem:$0x3FB2] =	sst s8  }
0x11: {  	[smem:$0x3FB3] =	sst s9;
	s0 =	simm.s32 @!p0 $0x0  }
0x12: {  	s1 =	sld [smem:$0x3F99];
	s0 =	simm.s32 @p0 $0x1  }
0x13: {  	[smem:$0x3FB4] =	sst s0;
	s0 =	simm.s32 @!p1 $0x0  }
0x14: {  	s2 =	sld [smem:$0x3F98];
	s0 =	simm.s32 @p1 $0x1  }
0x15: {  	[smem:$0x3FB5] =	sst s0;
	s0 =	simm.s32 @!p2 $0x0  }
0x16: {  	s3 =	sld [smem:$0x3FDB];
	s0 =	simm.s32 @p2 $0x1  }
0x17: {  	s4 =	simm.s32 $0x1BF5;
	[smem:$0x3FB7] =	sst s0  }
0x18: {  	s0 =	sld [smem:$0x3F9A];
	_ =	swait.ge [sflag:s4], $0x0  }
0x19: {  	s7 =	sld [smem:$0x3F9B]  }
0x1a: {  	s8 =	sadd.s32 $0xFFFFE003, lr  }
0x1b: {  	s9 =	sadd.s32 $0xFFFFFEF7, lr;
	s5 =	simm.s32 $0xFFFFFFFF;
	p2 =	slt.u32 s8, $0xFFFFF086  }
0x1c: {  	p1 =	slt.u32 s9, $0xF7A;
	s5 =	simm.s32 @!p2 $0x0  }
0x1d: {  	s5 =	simm.s32 @p1 $0x1;
	p0 =	seq.s32 s7, s2  }
0x1e: {  	s7 =	smul.u32 @!p0 $0xF7A, s2;
	p2 =	seq.s32 @!p0 s5, $0x0  }
0x1f: {  	s9 =	smul.u32 $0xF7A, s1;
	s8 =	simm.s32 @!p0 $0x1BF5;
	p2 =	por !p2, p0  }
0x20: {  	[sflag:s8] =	ssyncset.s32 @!p0 $0xFFFFF086;
	s6 =	sadd.s32 @!p0 s3, s7;
	s7 =	simm.s32 @!p0 $0x108  }
0x21: {  	s3 =	sadd.s32 s3, s9;
	s6 =	sadd.s32 @!p0 $0x88, s6;
	s7 =	simm.s32 @p2 $0x1082  }
0x22: {  	[simem:s7], [sflag:s8] =	dma.local @!p0 [hbm:s6], $0xF7A  }
0x23: {  	s9 =	sor.u32 $0xD0000000, s2;
	s6 =	simm.s32 $0x108;
	_ =	swait.ge @!p0 [sflag:s8], $0x0  }
0x24: {  	s3 =	sadd.s32 $0x88, s3;
	s6 =	simm.s32 @!p1 $0x1082;
	[sflag:s4] =	ssyncset.s32 $0xFFFFF086  }
0x25: {  	[simem:s6], [sflag:s4] =	dma.local [hbm:s3], $0xF7A  }
0x26: {  	[smem:$0x3F9B] =	sst s1;
	(tag) =	ssettag s2;
	_ =	strace s9  }
0x27: {  	s1 =	sld [smem:$0x3FAB]  }
0x28: {  	s2 =	sld [smem:$0x3FAC]  }
0x29: {  	s4 =	sld [smem:$0x3FAE]  }
0x2a: {  	p0 =	seq.s32 s5, $0x0;
	s5 =	sld [smem:$0x3FAF]  }
0x2b: {  	s6 =	sld [smem:$0x3FB0]  }
0x2c: {  	s7 =	sld [smem:$0x3FB1]  }
0x2d: {  	s3 =	simm.s32 $0x108;
	s8 =	sld [smem:$0x3FB2]  }
0x2e: {  	s3 =	simm.s32 @!p0 $0x1082;
	s9 =	sld [smem:$0x3FB3]  }
0x2f: {  	lr =	sadd.s32 s0, s3;
	s0 =	sld [smem:$0x3FAA]  }
0x30: {  	s3 =	sld [smem:$0x3FAD]  }
0x31: {  	[smem:$0x3FB6] =	sst s10  }
0x32: {  	s10 =	sld [smem:$0x3FB4];
	_ =	sdelay $0x3  }
0x33: {  	p0 =	seq.s32 s10, $0x1;
	s10 =	sld [smem:$0x3FB6];
	_ =	sdelay $0x3  }
0x34: {  	[smem:$0x3FB6] =	sst s10  }
0x35: {  	s10 =	sld [smem:$0x3FB5];
	_ =	sdelay $0x3  }
0x36: {  	p1 =	seq.s32 s10, $0x1;
	s10 =	sld [smem:$0x3FB6];
	_ =	sdelay $0x3  }
0x37: {  	[smem:$0x3FB6] =	sst s10  }
0x38: {  	s10 =	sld [smem:$0x3FB7]  }
0x39: {  	_ = 	snop;
	(pc) =	sbr.ind lr, $3  }
0x3a: {  	_ = 	snop  }
0x3b: {  	_ = 	snop  }
0x3c: {  	p2 =	seq.s32 s10, $0x1;
	s10 =	sld [smem:$0x3FB6]  }
0x3d: {  	_ =	shalt  }
0x3e: {  	_ =	shalt  }
0x3f: {  	_ =	shalt  }
0x40: {  	_ =	shalt  }
0x41: {  	_ =	shalt  }
0x42: {  	_ =	shalt  }
0x43: {  	_ =	shalt  }
0x44: {  	_ =	shalt  }
0x45: {  	_ =	shalt  }
0x46: {  	_ =	shalt  }
0x47: {  	_ =	shalt  }
0x48: {  	_ =	shalt  }
0x49: {  	_ =	shalt  }
0x4a: {  	_ =	shalt  }
0x4b: {  	_ =	shalt  }
0x4c: {  	_ =	shalt  }
0x4d: {  	_ =	shalt  }
0x4e: {  	_ =	shalt  }
0x4f: {  	_ =	shalt  }
0x50: {  	_ =	shalt  }
0x51: {  	_ =	shalt  }
0x52: {  	_ =	shalt  }
0x53: {  	_ =	shalt  }
0x54: {  	_ =	shalt  }
0x55: {  	_ =	shalt  }
0x56: {  	_ =	shalt  }
0x57: {  	_ =	shalt  }
0x58: {  	_ =	shalt  }
0x59: {  	_ =	shalt  }
0x5a: {  	_ =	shalt  }
0x5b: {  	_ =	shalt  }
0x5c: {  	_ =	shalt  }
0x5d: {  	_ =	shalt  }
0x5e: {  	_ =	shalt  }
0x5f: {  	_ =	shalt  }
0x60: {  	_ =	shalt  }
0x61: {  	_ =	shalt  }
0x62: {  	_ =	shalt  }
0x63: {  	_ =	shalt  }
0x64: {  	_ =	shalt  }
0x65: {  	_ =	shalt  }
0x66: {  	_ =	shalt  }
0x67: {  	_ =	shalt  }
0x68: {  	_ =	shalt  }
0x69: {  	_ =	shalt  }
0x6a: {  	_ =	shalt  }
0x6b: {  	_ =	shalt  }
0x6c: {  	_ =	shalt  }
0x6d: {  	_ =	shalt  }
0x6e: {  	_ =	shalt  }
0x6f: {  	_ =	shalt  }
0x70: {  	_ =	shalt  }
0x71: {  	_ =	shalt  }
0x72: {  	_ =	shalt  }
0x73: {  	_ =	shalt  }
0x74: {  	_ =	shalt  }
0x75: {  	_ =	shalt  }
0x76: {  	_ =	shalt  }
0x77: {  	_ =	shalt  }
0x78: {  	_ =	shalt  }
0x79: {  	_ =	shalt  }
0x7a: {  	_ =	shalt  }
0x7b: {  	_ =	shalt  }
0x7c: {  	_ =	shalt  }
0x7d: {  	_ =	shalt  }
0x7e: {  	_ =	shalt  }
0x7f: {  	_ =	shalt  }
0x80: {  	_ =	shalt  }
0x81: {  	_ =	shalt  }
0x82: {  	_ =	shalt  }
0x83: {  	_ =	shalt  }
0x84: {  	_ =	shalt  }
0x85: {  	_ =	shalt  }
0x86: {  	_ =	shalt  }
0x87: {  	_ =	shalt  }
.Lfunc_end0:
.L_simem_size_0:
called_computation.1_lowered:
.L_overlay_start_0:
0x88: {  	s2 =	sld [smem:$0x3FD9]  }
0x89: {  	s3 =	sld [smem:$0x3FFE];
	_ =	sdelay $0x1  }
0x8a: {  	s1 =	srdreg.scid  }
0x8b: {  	s0 =	sand.u32 $0x1, s1  }
0x8c: {  	s17 =	sshll.u32 s0, $0xA;
	s2 =	sadd.s32 s3, s2  }
0x8d: {  	s2 =	sadd.s32 s2, s17  }
0x8e: {  	[smem:$0x3FC2] =	sst s2  }
0x8f: {  	_ = 	snop  }
0x90: {  	s2 =	sld [smem:$0x3FC9]  }
0x91: {  	s18 =	sld [smem:$0x3FC5]  }
0x92: {  	s4 =	sld [smem:$0x3FC4]  }
0x93: {  	s5 =	sld [smem:$0x3FD0];
	(tm) =	ssettm $0x1  }
0x94: {  	s6 =	sld [smem:$0x3FFB];
	_ =	sdelay $0x3  }
0x95: {  	_ =	strace s6  }
0x96: {  	s6 =	sld [smem:$0x3FFC];
	_ =	sdelay $0x3  }
0x97: {  	_ =	strace s6  }
0x98: {  	s6 =	sld [smem:$0x3FFD];
	_ =	sdelay $0x3  }
0x99: {  	_ =	strace s6  }
0x9a: {  	_ =	strace $0x8FFFFFFF  }
0x9b: {  	s19 =	sld [smem:$0x3FDB];
	_ =	sdelay $0x1  }
0x9c: {  	s7 =	simm.s32 $_scs_section_size  }
0x9d: {  	s8 =	simm.s32 $_size__tile_overlayer_lowered;
	s9 =	simm.s32 $_tile_overlayer_lowered  }
0x9e: {  	s22 =	simm.s32 $0x1BFF;
	s21 =	sshll.u32 s9, $0x1;
	s6 =	sadd.s32 s7, s19  }
0x9f: {  	s10 =	simm.s32 $0x0;
	s20 =	sshll.u32 s8, $0x1;
	s8 =	sadd.s32 s21, s6  }
0xa0: {  	[timem:s10], [sflag:s22] =	dma.local [hbm:s8], s20  }
0xa1: {  	_ =	swait.ge [sflag:s22], s20  }
0xa2: {  	s7 =	ssub.s32 $0x0, s20;
	[sflag:s22] =	ssyncset.done $0x0  }
0xa3: {  	[sflag:s22] =	ssyncadd.s32 s7;
	_ =	sdelay $0x1  }
0xa4: {  	s23 =	simm.s32 $0x1B8B  }
0xa5: {  	_ =	swait.ge [sflag:s23], $0x1  }
0xa6: {  	[sflag:s23] =	ssyncset.done $0x0  }
0xa7: {  	s25 =	simm.s32 $0x1B8E;
	s24 =	sld [smem:$0x3FFE];
	[sflag:s23] =	ssyncadd.s32 $0xFFFFFFFF  }
0xa8: {  	s26 =	simm.s32 $execute0_lowered;
	[smem:$0x3FD2] =	sst s25  }
0xa9: {  	s8 =	sshll.u32 s26, $0x1;
	_ =	strace $0x80000046;
	[dreg:$0x1] =	wrdreg $0xFFFFFFFF  }
0xaa: {  	s28 =	simm.s32 $_size_execute0_lowered;
	s6 =	sadd.s32 s6, s8;
	[dreg:$0x0] =	wrdreg $0x0  }
0xab: {  	s8 =	sshll.u32 s28, $0x1;
	[dreg:$0x2] =	wrdreg s6  }
0xac: {  	[dreg:$0x3] =	wrdreg s8  }
0xad: {  	[dreg:$0x4] =	wrdreg $0xC0  }
0xae: {  	_ =	task [dreg:s10], $0x5FFFF  }
0xaf: {  	[dreg:$0x1] =	wrdreg $0xFFFFFFFF  }
0xb0: {  	[dreg:$0x0] =	wrdreg $0x60  }
0xb1: {  	[dreg:$0x2] =	wrdreg s2  }
0xb2: {  	[dreg:$0x3] =	wrdreg s24  }
0xb3: {  	[dreg:$0x4] =	wrdreg s5  }
0xb4: {  	[dreg:$0x5] =	wrdreg s18  }
0xb5: {  	[dreg:$0x6] =	wrdreg s4  }
0xb6: {  	[dreg:$0x7] =	wrdreg $0x9  }
0xb7: {  	_ =	task.clear_ibuf [dreg:s10], $0x8FFFF;
	_ =	strace $0x90000046  }
0xb8: {  	s29 =	simm.s32 $0x9;
	_ =	strace $0x80000048  }
0xb9: {  	_ =	swait.ge [sflag:s29], $0x1  }
0xba: {  	[sflag:s29] =	ssyncadd.s32 $0xFFFFFFFF  }
0xbb: {  	_ =	strace $0x90000048  }
0xbc: {  	_ =	sfence  }
0xbd: {  	s30 =	sld [smem:$0x0];
	_ =	sdelay $0x2  }
0xbe: {  	s31 =	sshll.u32 s1, $0xD;
	s1 =	sshrl.u32 s1, $0x2  }
0xbf: {  	s3 =	sand.u32 $0x4000, s31;
	s1 =	sadd.s32 s1, s30  }
0xc0: {  	s0 =	sor.u32 s3, s0;
	s1 =	sshll.u32 s1, $0x11  }
0xc1: {  	s0 =	sor.u32 s1, s0  }
0xc2: {  	s0 =	sadd.s32 $0x8F2B, s0  }
0xc3: {  	[sflag:s0] =	ssyncadd.remote.s32 $0x1  }
0xc4: {  	_ =	sfence.sel $0xFFFF  }
0xc5: {  	[dreg:$0x0] =	wrdreg $0xFFFFFFFF;
	(pc) =	sbr.abs _section_cstart, $3  }
0xc6: {  	[dreg:$0x1] =	wrdreg $0xFFFFFFFF  }
0xc7: {  	_ =	task.clear_ibuf [dreg:s10], $0x2FFFF;
	_ =	strace $0x9FFFFFFF  }
0xc8: {  	(tm) =	ssettm $0x7FFFFFFF  }
0xc9: {  	_ =	shalt  }
tec
execute0_lowered:
.L_overlay_start_1:
0x0: {  	(tag) =	ssettag $0x1  }
0x1: {  	s0 =	rddreg [dreg:$0x0]  }
0x2: {  	s1 =	rddreg [dreg:$0x1]  }
0x3: {  	s2 =	srdreg.scid;
	s5 =	rddreg [dreg:$0x2]  }
0x4: {  	s17 =	stileid.u32;
	s3 =	rddreg [dreg:$0x4];
	s22 =	simm.s32 $0x10C00  }
0x5: {  	s24 =	simm.s32 $0x11400;
	s26 =	simm.s32 $0x11C00;
	s28 =	simm.s32 $0x14400  }
0x6: {  	s29 =	simm.s32 $0x16400;
	s30 =	simm.s32 $0x18400;
	s6 =	sand.u32 $0x1, s2  }
0x7: {  	s31 =	simm.s32 $0x1A400;
	s7 =	sshll.u32 s17, $0x9;
	s4 =	sshll.u32 s6, $0xD  }
0x8: {  	s2 =	rddreg [dreg:$0x3];
	s7 =	sor.u32 s7, s4;
	s4 =	simm.s32 $0x0  }
0x9: {  	s10 =	ssub.s32 $0x2, s6;
	s25 =	sshll.u32 s6, $0x14;
	[smem:$0x7FF] =	sst s4  }
0xa: {  	s6 =	simm.s32 $0x12C00;
	_ =	strace $0x80000047;
	[dreg:$0x7] =	wrdreg s22  }
0xb: {  	s11 =	sshrl.u32 s10, $0x1;
	s8 =	sshrl.u32 s7, $0x3;
	[dreg:$0x8] =	wrdreg s24  }
0xc: {  	s16 =	ssub.s32 s10, s11;
	s7 =	sshll.u32 s7, $0x4;
	[dreg:$0x9] =	wrdreg s26  }
0xd: {  	s10 =	sadd.s32 $0x200, s2;
	s5 =	sadd.s32 s5, s7;
	[dreg:$0xa] =	wrdreg s6  }
0xe: {  	s11 =	sadd.s32 $0x300, s2;
	s18 =	smax.u32 s16, $0x1;
	[dreg:$0x15] =	wrdreg s5  }
0xf: {  	s9 =	smul.u32 $0xC80, s8;
	s16 =	simm.s32 $0x13400;
	[dreg:$0x17] =	wrdreg s18  }
0x10: {  	s7 =	sshll.u32 s17, $0x10;
	s17 =	simm.s32 $0x13C00;
	[dreg:$0xb] =	wrdreg s16  }
0x11: {  	s15 =	sadd.s32 s8, s1;
	s24 =	simm.s32 $0x18C00;
	[dreg:$0xc] =	wrdreg s17  }
0x12: {  	s22 =	sshll.u32 s8, $0xA;
	s26 =	simm.s32 $0x19C00;
	[dreg:$0x10] =	wrdreg s24  }
0x13: {  	s6 =	simm.s32 $0x5;
	s12 =	sadd.s32 $0x800, s15;
	[dreg:$0x12] =	wrdreg s26  }
0x14: {  	s8 =	simm.s32 $0x0;
	s13 =	sadd.s32 $0x1000, s15;
	[dreg:$0x13] =	wrdreg s12  }
0x15: {  	s19 =	sadd.s32 $0x810, s15;
	s20 =	sadd.s32 $0x820, s15;
	[dreg:$0x14] =	wrdreg s13  }
0x16: {  	s21 =	sadd.s32 $0x830, s15;
	s23 =	sadd.s32 $0x1010, s15;
	[dreg:$0x18] =	wrdreg s19  }
0x17: {  	s5 =	sadd.s32 s25, s0;
	s18 =	sadd.s32 $0x1020, s15;
	[dreg:$0x19] =	wrdreg s20  }
0x18: {  	s0 =	sadd.s32 s22, s0;
	s25 =	simm.s32 $0x19400;
	[dreg:$0x1a] =	wrdreg s21  }
0x19: {  	s26 =	simm.s32 $0x12400;
	s24 =	simm.s32 $0x3;
	[dreg:$0x1b] =	wrdreg s23  }
0x1a: {  	s1 =	sadd.s32 s9, s1;
	s9 =	sadd.s32 $0x100, s2;
	[dreg:$0x1d] =	wrdreg s18  }
0x1b: {  	s12 =	sadd.s32 $0x100, s3;
	s5 =	sadd.s32 s7, s5;
	[dreg:$0x11] =	wrdreg s25  }
0x1c: {  	s13 =	sadd.s32 $0x200, s3;
	s20 =	sadd.s32 $0x1030, s15;
	[dreg:$0x1c] =	wrdreg s5  }
0x1d: {  	s19 =	simm.s32 $0x16C00;
	s21 =	simm.s32 $0x17400;
	[dreg:$0x1e] =	wrdreg s20  }
0x1e: {  	s23 =	simm.s32 $0x17C00;
	s16 =	sadd.s32 $0x400, s0;
	[dreg:$0xd] =	wrdreg s19  }
0x1f: {  	s0 =	simm.s32 $0x1;
	s25 =	simm.s32 $0x10400;
	[dreg:$0xe] =	wrdreg s21  }
0x20: {  	v0 =	vlaneseq.u32;
	s7 =	simm.s32 $0x2;
	s14 =	sadd.s32 $0x2400, s1;
	[dreg:$0xf] =	wrdreg s23  }
0x21: {  	v1 =	vshrl.u32 v0, $0x3;
	s1 =	sadd.s32 $0x1800, s1;
	s5 =	simm.s32 $0x4;
	[dreg:$0x16] =	wrdreg s14  }
0x22: {  	vm0 =	vmmov $0xffff;
	v0 =	vand.u32 $0x7, v0;
	v1 =	vmul.u32 $0x8, v1;
	s14 =	sadd.s32 $0x300, s3;
	[dreg:$0x6] =	wrdreg s1;
	s1 =	simm.s32 $0x400  }
.LBB2_1:
0x23: {  	s15 =	rddreg [dreg:$0x13]  }
0x24: {  	[tilespmem:s4], [sflag:$0x1] =	stream.linear.gather [hbm4b:s15+s4], $0x80, $0x38;
	[tilespmem:$0x1C400] =	vst v63  }
0x25: {  	s21 =	rddreg [dreg:$0x18];
	s17 =	simm.s32 $0x100  }
0x26: {  	[tilespmem:s17], [sflag:$0x1] =	stream.linear.gather [hbm4b:s21+s4], $0x80, $0x38;
	[tilespmem:$0x1C400] =	vst v63  }
0x27: {  	s22 =	rddreg [dreg:$0x19];
	s23 =	simm.s32 $0x200  }
0x28: {  	[tilespmem:s23], [sflag:$0x1] =	stream.linear.gather [hbm4b:s22+s4], $0x80, $0x38;
	[tilespmem:$0x1C400] =	vst v63  }
0x29: {  	s18 =	rddreg [dreg:$0x1a];
	s19 =	simm.s32 $0x300  }
0x2a: {  	[tilespmem:s19], [sflag:$0x1] =	stream.linear.gather [hbm4b:s18+s4], $0x80, $0x38;
	[tilespmem:$0x1C400] =	vst v63  }
0x2b: {  	s20 =	rddreg [dreg:$0x14];
	s21 =	simm.s32 $0x80  }
0x2c: {  	[tilespmem:s21], [sflag:$0x1] =	stream.linear.gather [hbm4b:s20+s4], $0x80, $0x38;
	[tilespmem:$0x1C400] =	vst v63  }
0x2d: {  	s22 =	rddreg [dreg:$0x1b];
	s23 =	simm.s32 $0x180  }
0x2e: {  	[tilespmem:s23], [sflag:$0x1] =	stream.linear.gather [hbm4b:s22+s4], $0x80, $0x38;
	[tilespmem:$0x1C400] =	vst v63  }
0x2f: {  	s17 =	rddreg [dreg:$0x1d];
	s18 =	simm.s32 $0x280  }
0x30: {  	[tilespmem:s18], [sflag:$0x1] =	stream.linear.gather [hbm4b:s17+s4], $0x80, $0x38;
	[tilespmem:$0x1C400] =	vst v63  }
0x31: {  	s19 =	rddreg [dreg:$0x1e];
	s20 =	simm.s32 $0x380  }
0x32: {  	[tilespmem:s20], [sflag:$0x1] =	stream.linear.gather [hbm4b:s19+s4], $0x80, $0x38;
	[tilespmem:$0x1C400] =	vst v63  }
0x33: {  	s21 =	rddreg [dreg:$0x15]  }
0x34: {  	[tilespmem:s1], [sflag:$0x1] =	stream.linear.gather [hbm4b:s21+s4], $0x10000, $0x38;
	[tilespmem:$0x1C400] =	vst v63  }
0x35: {  	_ =	swait.ge [sflag:s0], $0x200  }
0x36: {  	[sflag:s0] =	ssyncset.done $0x0  }
0x37: {  	[sflag:s0] =	ssyncadd.s32 $0xFFFFFE00  }
0x38: {  	_ =	swait.ge [sflag:s0], $0x200  }
0x39: {  	[sflag:s0] =	ssyncset.done $0x0  }
0x3a: {  	[sflag:s0] =	ssyncadd.s32 $0xFFFFFE00  }
0x3b: {  	_ =	swait.ge [sflag:s0], $0x10000  }
0x3c: {  	s15 =	simm.s32 $0x0;
	s23 =	simm.s32 $0x6400;
	[sflag:s0] =	ssyncset.done $0x0  }
0x3d: {  	s18 =	simm.s32 $0x0;
	s22 =	rddreg [dreg:$0x16];
	[sflag:s0] =	ssyncadd.s32 $0xFFFF0000  }
0x3e: {  	[hbm4b:s22+s1] =	stream.strided.scatter [tilespmem:s1], [sflag:$0x2], $0x10000, s23, s1, $0x38;
	[tilespmem:$0x1C400] =	vst v63  }
0x3f: {  	s19 =	simm.s32 $0x0;
	s20 =	rddreg [dreg:$0x1c];
	s23 =	smov.u32 s16  }
.LBB2_2:
0x40: {  	s17 =	sand.u32 $0x70, s15;
	s21 =	sand.u32 $0x300, s18  }
0x41: {  	s17 =	sor.u32 s17, s21  }
0x42: {  	v2 =	vld.msk [tilespmem:s17+$0x0], $0xff;
	_ =	sdelay $0x4  }
0x43: {  	v3 =	vshll.u32 v2, $0x3  }
0x44: {  	v2 =	vand.u32 $0x7, v2;
	v3 =	vand.u32 $0xFFFFFFC0, v3  }
0x45: {  	v2 =	vor.u32 v2, v3  }
0x46: {  	v2 =	vperm.xlane v2, v0;
	_ =	sdelay $0x1  }
0x47: {  	v2 =	vadd.s32 v1, v2;
	_ =	sdelay $0x4  }
0x48: {  	[tilespmem:s25], [sflag:$0x3] =	stream.indirect_vreg.gather [hbm4b:s2+s4], $0x80, v2, vm0, $0xb8;
	[tilespmem:$0x1C400] =	vst v63  }
0x49: {  	s21 =	rddreg [dreg:$0x7]  }
0x4a: {  	[tilespmem:s21], [sflag:$0x3] =	stream.indirect_vreg.gather [hbm4b:s9+s4], $0x80, v2, vm0, $0xb8;
	[tilespmem:$0x1C400] =	vst v63  }
0x4b: {  	s22 =	rddreg [dreg:$0x8]  }
0x4c: {  	[tilespmem:s22], [sflag:$0x3] =	stream.indirect_vreg.gather [hbm4b:s10+s4], $0x80, v2, vm0, $0xb8;
	[tilespmem:$0x1C400] =	vst v63  }
0x4d: {  	s21 =	rddreg [dreg:$0x9];
	s22 =	sor.u32 $0x80, s17  }
0x4e: {  	[tilespmem:s21], [sflag:$0x3] =	stream.indirect_vreg.gather [hbm4b:s11+s4], $0x80, v2, vm0, $0xb8;
	[tilespmem:$0x1C400] =	vst v63  }
0x4f: {  	v2 =	vld.msk [tilespmem:s22+$0x0], $0xff;
	_ =	sdelay $0x4  }
0x50: {  	v3 =	vshll.u32 v2, $0x3  }
0x51: {  	v2 =	vand.u32 $0x7, v2;
	v3 =	vand.u32 $0xFFFFFFC0, v3  }
0x52: {  	v2 =	vor.u32 v2, v3  }
0x53: {  	v2 =	vperm.xlane v2, v0;
	_ =	sdelay $0x1  }
0x54: {  	v2 =	vadd.s32 v1, v2;
	_ =	sdelay $0x4  }
0x55: {  	[tilespmem:s26], [sflag:$0x3] =	stream.indirect_vreg.gather [hbm4b:s3+s4], $0x80, v2, vm0, $0xb8;
	[tilespmem:$0x1C400] =	vst v63  }
0x56: {  	s21 =	rddreg [dreg:$0xa]  }
0x57: {  	[tilespmem:s21], [sflag:$0x3] =	stream.indirect_vreg.gather [hbm4b:s12+s4], $0x80, v2, vm0, $0xb8;
	[tilespmem:$0x1C400] =	vst v63  }
0x58: {  	s22 =	rddreg [dreg:$0xb]  }
0x59: {  	[tilespmem:s22], [sflag:$0x3] =	stream.indirect_vreg.gather [hbm4b:s13+s4], $0x80, v2, vm0, $0xb8;
	[tilespmem:$0x1C400] =	vst v63  }
0x5a: {  	s21 =	rddreg [dreg:$0xc]  }
0x5b: {  	[tilespmem:s21], [sflag:$0x3] =	stream.indirect_vreg.gather [hbm4b:s14+s4], $0x80, v2, vm0, $0xb8;
	[tilespmem:$0x1C400] =	vst v63  }
0x5c: {  	s22 =	sor.u32 $0x8, s17  }
0x5d: {  	[tilespmem:s28], [sflag:$0x3] =	stream.linear.gather [hbm4b:s20+s4], $0x2000, $0x38;
	[tilespmem:$0x1C400] =	vst v63  }
0x5e: {  	v2 =	vld.msk [tilespmem:s22+$0x0], $0xff;
	_ =	sdelay $0x4  }
0x5f: {  	v3 =	vshll.u32 v2, $0x3  }
0x60: {  	v2 =	vand.u32 $0x7, v2;
	v3 =	vand.u32 $0xFFFFFFC0, v3  }
0x61: {  	v2 =	vor.u32 v2, v3  }
0x62: {  	v2 =	vperm.xlane v2, v0;
	_ =	sdelay $0x1  }
0x63: {  	v2 =	vadd.s32 v1, v2;
	_ =	sdelay $0x4  }
0x64: {  	[tilespmem:s29], [sflag:$0x4] =	stream.indirect_vreg.gather [hbm4b:s2+s4], $0x80, v2, vm0, $0xb8;
	[tilespmem:$0x1C400] =	vst v63  }
0x65: {  	s21 =	rddreg [dreg:$0xd]  }
0x66: {  	[tilespmem:s21], [sflag:$0x4] =	stream.indirect_vreg.gather [hbm4b:s9+s4], $0x80, v2, vm0, $0xb8;
	[tilespmem:$0x1C400] =	vst v63  }
0x67: {  	s22 =	rddreg [dreg:$0xe]  }
0x68: {  	[tilespmem:s22], [sflag:$0x4] =	stream.indirect_vreg.gather [hbm4b:s10+s4], $0x80, v2, vm0, $0xb8;
	[tilespmem:$0x1C400] =	vst v63  }
0x69: {  	s17 =	sor.u32 $0x88, s17;
	s21 =	rddreg [dreg:$0xf]  }
0x6a: {  	[tilespmem:s21], [sflag:$0x4] =	stream.indirect_vreg.gather [hbm4b:s11+s4], $0x80, v2, vm0, $0xb8;
	[tilespmem:$0x1C400] =	vst v63  }
0x6b: {  	v2 =	vld.msk [tilespmem:s17+$0x0], $0xff;
	_ =	sdelay $0x4  }
0x6c: {  	v3 =	vshll.u32 v2, $0x3  }
0x6d: {  	v2 =	vand.u32 $0x7, v2;
	v3 =	vand.u32 $0xFFFFFFC0, v3  }
0x6e: {  	v2 =	vor.u32 v2, v3  }
0x6f: {  	v2 =	vperm.xlane v2, v0;
	_ =	sdelay $0x1  }
0x70: {  	v2 =	vadd.s32 v1, v2;
	_ =	sdelay $0x4  }
0x71: {  	[tilespmem:s30], [sflag:$0x4] =	stream.indirect_vreg.gather [hbm4b:s3+s4], $0x80, v2, vm0, $0xb8;
	[tilespmem:$0x1C400] =	vst v63  }
0x72: {  	s22 =	rddreg [dreg:$0x10]  }
0x73: {  	[tilespmem:s22], [sflag:$0x4] =	stream.indirect_vreg.gather [hbm4b:s12+s4], $0x80, v2, vm0, $0xb8;
	[tilespmem:$0x1C400] =	vst v63  }
0x74: {  	s21 =	rddreg [dreg:$0x11]  }
0x75: {  	[tilespmem:s21], [sflag:$0x4] =	stream.indirect_vreg.gather [hbm4b:s13+s4], $0x80, v2, vm0, $0xb8;
	[tilespmem:$0x1C400] =	vst v63  }
0x76: {  	s22 =	rddreg [dreg:$0x12]  }
0x77: {  	[tilespmem:s22], [sflag:$0x4] =	stream.indirect_vreg.gather [hbm4b:s14+s4], $0x80, v2, vm0, $0xb8;
	[tilespmem:$0x1C400] =	vst v63  }
0x78: {  	_ = 	snop  }
0x79: {  	[tilespmem:s31], [sflag:$0x4] =	stream.linear.gather [hbm4b:s23+s4], $0x2000, $0x38;
	[tilespmem:$0x1C400] =	vst v63  }
0x7a: {  	_ =	swait.ge [sflag:s24], $0x2000  }
0x7b: {  	[sflag:s24] =	ssyncset.done $0x0  }
0x7c: {  	[sflag:s24] =	ssyncadd.s32 $0xFFFFE000  }
0x7d: {  	_ =	swait.ge [sflag:s24], $0x2000  }
0x7e: {  	[sflag:s24] =	ssyncset.done $0x0  }
0x7f: {  	[sflag:s24] =	ssyncadd.s32 $0xFFFFE000  }
0x80: {  	_ =	swait.ge [sflag:s24], $0x2000  }
0x81: {  	s21 =	rddreg [dreg:$0x6];
	[sflag:s24] =	ssyncset.done $0x0  }
0x82: {  	[sflag:s24] =	ssyncadd.s32 $0xFFFFE000;
	s17 =	sadd.s32 s19, s21  }
0x83: {  	[hbm4b:s17+s4] =	stream.linear.scatter [tilespmem:s28], [sflag:$0x5], $0x2000, $0x38;
	[tilespmem:$0x1C400] =	vst v63  }
0x84: {  	s22 =	sadd.s32 $0x400, s17  }
0x85: {  	[hbm4b:s22+s4] =	stream.linear.scatter [tilespmem:s25], [sflag:$0x5], $0x2000, $0x38;
	[tilespmem:$0x1C400] =	vst v63  }
0x86: {  	s22 =	sadd.s32 $0x800, s17  }
0x87: {  	[hbm4b:s22+s4] =	stream.linear.scatter [tilespmem:s26], [sflag:$0x5], $0x2000, $0x38;
	[tilespmem:$0x1C400] =	vst v63  }
0x88: {  	_ =	swait.ge [sflag:s5], $0x2000  }
0x89: {  	[sflag:s5] =	ssyncset.done $0x0  }
0x8a: {  	[sflag:s5] =	ssyncadd.s32 $0xFFFFE000  }
0x8b: {  	_ =	swait.ge [sflag:s5], $0x2000  }
0x8c: {  	[sflag:s5] =	ssyncset.done $0x0  }
0x8d: {  	[sflag:s5] =	ssyncadd.s32 $0xFFFFE000  }
0x8e: {  	_ =	swait.ge [sflag:s5], $0x2000  }
0x8f: {  	[sflag:s5] =	ssyncset.done $0x0  }
0x90: {  	s22 =	sadd.s32 $0xC80, s17;
	[sflag:s5] =	ssyncadd.s32 $0xFFFFE000  }
0x91: {  	[hbm4b:s22+s4] =	stream.linear.scatter [tilespmem:s31], [sflag:$0x5], $0x2000, $0x38;
	[tilespmem:$0x1C400] =	vst v63  }
0x92: {  	s22 =	sadd.s32 $0x1080, s17  }
0x93: {  	[hbm4b:s22+s4] =	stream.linear.scatter [tilespmem:s29], [sflag:$0x5], $0x2000, $0x38;
	[tilespmem:$0x1C400] =	vst v63  }
0x94: {  	s17 =	sadd.s32 $0x1480, s17  }
0x95: {  	[hbm4b:s17+s4] =	stream.linear.scatter [tilespmem:s30], [sflag:$0x5], $0x2000, $0x38;
	[tilespmem:$0x1C400] =	vst v63  }
0x96: {  	_ =	swait.ge [sflag:s6], $0x2000  }
0x97: {  	[sflag:s6] =	ssyncset.done $0x0  }
0x98: {  	[sflag:s6] =	ssyncadd.s32 $0xFFFFE000  }
0x99: {  	_ =	swait.ge [sflag:s6], $0x2000  }
0x9a: {  	[sflag:s6] =	ssyncset.done $0x0  }
0x9b: {  	[sflag:s6] =	ssyncadd.s32 $0xFFFFE000  }
0x9c: {  	_ =	swait.ge [sflag:s6], $0x2000  }
0x9d: {  	[sflag:s6] =	ssyncset.done $0x0  }
0x9e: {  	[sflag:s6] =	ssyncadd.s32 $0xFFFFE000  }
0x9f: {  	_ =	swait.ge [sflag:s6], $0x2000  }
0xa0: {  	[sflag:s6] =	ssyncset.done $0x0  }
0xa1: {  	[sflag:s6] =	ssyncadd.s32 $0xFFFFE000  }
0xa2: {  	p0 =	sne.s32 s19, $0x30700;
	_ =	swait.ge [sflag:s6], $0x2000  }
.Ltmp0:
0xa3: {  	[sflag:s6] =	ssyncset.done $0x0;
	(pc) =	sbr.rel @p0 .LBB2_2-.Ltmp0, $4  }
0xa4: {  	[sflag:s6] =	ssyncadd.s32 $0xFFFFE000  }
0xa5: {  	s18 =	sadd.s32 $0x20, s18;
	_ =	swait.ge [sflag:s6], $0x2000  }
0xa6: {  	s15 =	sadd.s32 $0x10, s15;
	s20 =	sadd.s32 $0x800, s20;
	[sflag:s6] =	ssyncset.done $0x0  }
0xa7: {  	s23 =	sadd.s32 $0x800, s23;
	s19 =	sadd.s32 $0x1900, s19;
	[sflag:s6] =	ssyncadd.s32 $0xFFFFE000  }
0xa8: {  	_ =	swait.ge [sflag:s7], $0x10000  }
0xa9: {  	s8 =	sadd.s32 $0x1, s8;
	s15 =	rddreg [dreg:$0x17]  }
0xaa: {  	p0 =	sne.s32 s8, s15  }
.Ltmp1:
0xab: {  	_ = 	snop;
	(pc) =	sbr.rel @p0 .LBB2_1-.Ltmp1, $3  }
0xac: {  	_ =	sdelay $0x1  }
0xad: {  	[sflag:s7] =	ssyncset.done $0x0  }
0xae: {  	[sflag:s7] =	ssyncadd.s32 $0xFFFF0000  }
0xaf: {  	_ =	sfence.sel $0x180000  }
0xb0: {  	[bflag:$0x0] =	sbarrier.arrive $0xFFFF  }
0xb1: {  	_ =	strace $0x90000047  }
0xb2: {  	s0 =	stileid.u32;
	[bflag:$0x2] =	sbarrier.arrive $0xFFFF  }
0xb3: {  	p0 =	sne.s32 s0, $0x0;
	s0 =	rddreg [dreg:$0x5]  }
0xb4: {  	s0 =	sadd.s32 @!p0 $0x100000, s0  }
0xb5: {  	[sflag:s0] =	ssyncadd.tile.s32 @!p0 $0x1;
	_ =	shalt  }
.Lfunc_end2:
_tile_overlayer_lowered:
.L_overlay_start_2:
0xb6: {  	(tag) =	ssettag $0x2  }
0xb7: {  	s0 =	rddreg [dreg:$0x0];
	s2 =	stileid.u32  }
0xb8: {  	s1 =	rddreg [dreg:$0x1];
	p0 =	sne.s32 s2, $0x0  }
0xb9: {  	s3 =	rddreg [dreg:$0x2];
	[bflag:$0x3] =	sbarrier.arrive $0xFFFF;
	s2 =	simm.s32 @!p0 $0x1C06  }
0xba: {  	[timem:s3], [sflag:s2] =	dma.local @!p0 [hbm:s0], s1  }
0xbb: {  	s0 =	simm.s32 @!p0 $0x6  }
0xbc: {  	_ =	swait.ge @!p0 [sflag:s0], s1  }
0xbd: {  	s1 =	ssub.s32 @!p0 $0x0, s1;
	[sflag:s0] =	ssyncset.done @!p0 $0x0  }
0xbe: {  	[sflag:s0] =	ssyncadd.s32 @!p0 s1  }
0xbf: {  	[bflag:$0x3] =	sbarrier.arrive $0xFFFF  }
0xc0: {  	_ =	shalt  }

// kernel: sparse-core-data-format-call.cloned.1.call-start
scs
called_computation_lowered:
.L_overlay_start_0:
0x0: {  	s2 =	sld [smem:$0x3FD9]  }
0x1: {  	s3 =	sld [smem:$0x3FFE];
	_ =	sdelay $0x1  }
0x2: {  	s1 =	srdreg.scid  }
0x3: {  	s0 =	sand.u32 $0x1, s1  }
0x4: {  	s18 =	sshll.u32 s0, $0xA;
	s2 =	sadd.s32 s3, s2  }
0x5: {  	s2 =	sadd.s32 s2, s18  }
0x6: {  	[smem:$0x3FC2] =	sst s2  }
0x7: {  	_ = 	snop  }
0x8: {  	s2 =	sld [smem:$0x3FD0];
	(tm) =	ssettm $0x1  }
0x9: {  	s19 =	sld [smem:$0x3FFB];
	_ =	sdelay $0x3  }
0xa: {  	_ =	strace s19  }
0xb: {  	s3 =	sld [smem:$0x3FFC];
	_ =	sdelay $0x3  }
0xc: {  	_ =	strace s3  }
0xd: {  	s3 =	sld [smem:$0x3FFD];
	_ =	sdelay $0x3  }
0xe: {  	_ =	strace s3  }
0xf: {  	_ =	strace $0x8FFFFFFF  }
0x10: {  	s20 =	sld [smem:$0x3FDB];
	_ =	sdelay $0x1  }
0x11: {  	s4 =	simm.s32 $_scs_section_size  }
0x12: {  	s5 =	simm.s32 $_size__tile_overlayer_lowered;
	s6 =	simm.s32 $_tile_overlayer_lowered  }
0x13: {  	s23 =	simm.s32 $0x1BFF;
	s22 =	sshll.u32 s6, $0x1;
	s3 =	sadd.s32 s4, s20  }
0x14: {  	s7 =	simm.s32 $0x0;
	s21 =	sshll.u32 s5, $0x1;
	s5 =	sadd.s32 s22, s3  }
0x15: {  	[timem:s7], [sflag:s23] =	dma.local [hbm:s5], s21  }
0x16: {  	_ =	swait.ge [sflag:s23], s21  }
0x17: {  	s4 =	ssub.s32 $0x0, s21;
	[sflag:s23] =	ssyncset.done $0x0  }
0x18: {  	[sflag:s23] =	ssyncadd.s32 s4;
	_ =	sdelay $0x1  }
0x19: {  	s24 =	simm.s32 $0x1B8B  }
0x1a: {  	_ =	swait.ge [sflag:s24], $0x1  }
0x1b: {  	[sflag:s24] =	ssyncset.done $0x0  }
0x1c: {  	s26 =	simm.s32 $0x1B8E;
	s25 =	sld [smem:$0x3FFE];
	[sflag:s24] =	ssyncadd.s32 $0xFFFFFFFF  }
0x1d: {  	s27 =	simm.s32 $execute0_lowered;
	[smem:$0x3FD2] =	sst s26  }
0x1e: {  	s5 =	sshll.u32 s27, $0x1;
	_ =	strace $0x80000049;
	[dreg:$0x1] =	wrdreg $0xFFFFFFFF  }
0x1f: {  	s28 =	simm.s32 $_size_execute0_lowered;
	s3 =	sadd.s32 s3, s5;
	[dreg:$0x0] =	wrdreg $0x0  }
0x20: {  	s5 =	sshll.u32 s28, $0x1;
	[dreg:$0x2] =	wrdreg s3  }
0x21: {  	[dreg:$0x3] =	wrdreg s5  }
0x22: {  	[dreg:$0x4] =	wrdreg $0xC0  }
0x23: {  	_ =	task [dreg:s7], $0x5FFFF  }
0x24: {  	[dreg:$0x1] =	wrdreg $0xFFFFFFFF  }
0x25: {  	[dreg:$0x0] =	wrdreg $0x60  }
0x26: {  	[dreg:$0x2] =	wrdreg s25  }
0x27: {  	[dreg:$0x3] =	wrdreg s2  }
0x28: {  	[dreg:$0x4] =	wrdreg $0x9  }
0x29: {  	_ =	task.clear_ibuf [dreg:s7], $0x5FFFF;
	_ =	strace $0x90000049  }
0x2a: {  	s29 =	simm.s32 $0x9;
	_ =	strace $0x8000004B  }
0x2b: {  	_ =	swait.ge [sflag:s29], $0x1  }
0x2c: {  	[sflag:s29] =	ssyncadd.s32 $0xFFFFFFFF  }
0x2d: {  	_ =	strace $0x9000004B  }
0x2e: {  	_ =	sfence  }
0x2f: {  	s30 =	sld [smem:$0x0];
	_ =	sdelay $0x2  }
0x30: {  	s31 =	sshll.u32 s1, $0xD;
	s1 =	sshrl.u32 s1, $0x2  }
0x31: {  	s3 =	sand.u32 $0x4000, s31;
	s1 =	sadd.s32 s1, s30  }
0x32: {  	s0 =	sor.u32 s3, s0;
	s1 =	sshll.u32 s1, $0x11  }
0x33: {  	s0 =	sor.u32 s1, s0  }
0x34: {  	s0 =	sadd.s32 $0x8F2B, s0  }
0x35: {  	[sflag:s0] =	ssyncadd.remote.s32 $0x1  }
0x36: {  	_ =	sfence.sel $0xFFFF  }
0x37: {  	[dreg:$0x0] =	wrdreg $0xFFFFFFFF;
	(pc) =	sbr.abs _section_cstart, $3  }
0x38: {  	[dreg:$0x1] =	wrdreg $0xFFFFFFFF  }
0x39: {  	_ =	task.clear_ibuf [dreg:s7], $0x2FFFF;
	_ =	strace $0x9FFFFFFF  }
0x3a: {  	(tm) =	ssettm $0x7FFFFFFF  }
0x3b: {  	_ =	shalt  }
tec
execute0_lowered:
.L_overlay_start_1:
0x0: {  	(tag) =	ssettag $0x1  }
0x1: {  	s0 =	stileid.u32;
	s5 =	rddreg [dreg:$0x0]  }
0x2: {  	s1 =	srdreg.scid;
	s3 =	rddreg [dreg:$0x1];
	s6 =	simm.s32 $0x1  }
0x3: {  	s8 =	simm.s32 $0x2;
	s2 =	sshll.u32 s0, $0x5;
	s1 =	sshll.u32 s1, $0x9  }
0x4: {  	s18 =	simm.s32 $0x0;
	s9 =	simm.s32 $0x4000;
	s1 =	sor.u32 s2, s1  }
0x5: {  	s17 =	simm.s32 $0x0;
	s19 =	simm.s32 $0x0;
	s2 =	sand.u32 $0x380, s1  }
0x6: {  	s10 =	simm.s32 $0x0;
	s11 =	simm.s32 $0x0;
	s4 =	ssub.s32 $0x1000, s2  }
0x7: {  	s12 =	simm.s32 $0x0;
	s13 =	simm.s32 $0x0;
	s31 =	sand.u32 $0x380, s4  }
0x8: {  	s16 =	simm.s32 $0x0;
	s7 =	sand.u32 $0x3, s0;
	p0 =	sne.s32 s31, $0x0  }
.Ltmp0:
0x9: {  	s4 =	sshrl.u32 s4, $0xA;
	s6 =	simm.s32 @!p0 $0x0;
	(pc) =	sbr.rel .LBB1_1-.Ltmp0, $4  }
0xa: {  	s1 =	rddreg [dreg:$0x2];
	_ =	strace $0x8000004A;
	s6 =	sadd.s32 s6, s4  }
0xb: {  	s4 =	sadd.s32 $0x1800, s5;
	s5 =	simm.s32 $0x1;
	s6 =	smul.u32 $0x19, s6  }
0xc: {  	s15 =	smov.u32 s7;
	s14 =	smov.u32 s2;
	[sflag:s5] =	ssyncpa.u1 $0x0  }
0xd: {  	p0 =	por $0x0, $0x0;
	[sflag:s8] =	ssyncpa.u1 $0x0;
	s8 =	sadd.s32 $0x1, s6  }
.LBB1_4:
0xe: {  	s24 =	sshra.s32 s24, $0x2  }
0xf: {  	s25 =	sshll.u32 s12, $0x7;
	s30 =	sand.u32 $0x78, s11;
	p2 =	sgt.s32 s12, $0x3  }
0x10: {  	s26 =	sshra.s32 s12, $0x1F;
	p1 =	sgt.s32 s10, $0xB81;
	s27 =	sshra.s32 s11, $0x1F  }
0x11: {  	s31 =	sshra.s32 s10, $0x1F;
	s23 =	sadd.s32 s24, s23;
	s25 =	sand.u32 $0x180, s25  }
0x12: {  	s26 =	sand.u32 s26, s12;
	s24 =	sor.u32 s25, s30;
	s25 =	smov.u32 s12  }
0x13: {  	v5 =	vld [tilespmem:s21+$0xFFFFFFD0];
	s27 =	sand.u32 s27, s11;
	s30 =	sshll.u32 s11, $0x2;
	s25 =	simm.s32 @!p2 $0x3  }
0x14: {  	[tilespmem:s22+$0x2040 ss:$0x81] =	vst.msk $0xffff, v4;
	v58 =	vld [tilespmem:s21+$0xFFFFFFE0];
	p2 =	sgt.s32 s11, $0xF80;
	s25 =	ssub.s32 s25, s26;
	s26 =	smov.u32 s11  }
0x15: {  	[tilespmem:s22+$0x2850 ss:$0x81] =	vst.msk $0xffff, v3;
	v59 =	vld [tilespmem:s21+$0xFFFFFFF0];
	s28 =	sadd.s32 $0xFFFFFFFD, s25;
	s26 =	simm.s32 @!p2 $0xF80;
	s25 =	ssub.s32 $0x4, s25  }
0x16: {  	[tilespmem:s22+$0x3060 ss:$0x81] =	vst.msk $0xffff, v2;
	v60 =	vld [tilespmem:s21+$0x0];
	p2 =	sgt.s32 s28, $0x0;
	s28 =	smov.u32 s10;
	s26 =	ssub.s32 s26, s27  }
0x17: {  	[tilespmem:s22+$0x0 ss:$0x81] =	vst.msk $0xffff, v1;
	v61 =	vld [tilespmem:s21+$0x10];
	s27 =	sand.u32 s31, s10;
	s31 =	sand.u32 $0xE00, s30;
	s28 =	simm.s32 @!p1 $0xB81  }
0x18: {  	v62 =	vld [tilespmem:s21+$0x20];
	[tilespmem:s23+$0x3870 ss:$0x81] =	vst.msk $0xffff, v0;
	s25 =	simm.s32 @p2 $0x0;
	s22 =	ssub.s32 s28, s27;
	s28 =	sadd.s32 $0xFFFFF080, s26  }
0x19: {  	v63 =	vld [tilespmem:s21+$0xFFFFFFC0];
	[tilespmem:s23+$0x810 ss:$0x81] =	vst.msk $0xffff, v5;
	s21 =	sor.u32 s31, s24;
	s26 =	ssub.s32 $0x1000, s26;
	p1 =	sgt.s32 s28, $0x7F  }
0x1a: {  	[tilespmem:s23+$0x1020 ss:$0x81] =	vst.msk $0xffff, v58;
	s27 =	sshll.u32 s10, $0xB;
	s29 =	sadd.s32 $0xFFFFF47F, s22;
	s26 =	simm.s32 @p1 $0x0  }
0x1b: {  	[tilespmem:s23+$0x1830 ss:$0x81] =	vst.msk $0xffff, v59;
	s22 =	ssub.s32 $0xC01, s22;
	p1 =	sgt.s32 s29, $0x7F;
	s25 =	smul.u32 s25, s26  }
0x1c: {  	[tilespmem:s23+$0x2040 ss:$0x81] =	vst.msk $0xffff, v60;
	s28 =	sshrl.u32 s11, $0x1;
	s24 =	sadd.s32 s3, s27;
	s22 =	simm.s32 @p1 $0x0  }
0x1d: {  	[tilespmem:s23+$0x2850 ss:$0x81] =	vst.msk $0xffff, v61;
	s29 =	sand.u32 $0x7, s11;
	s22 =	smul.u32 s22, s25;
	s25 =	sand.u32 $0x600, s28  }
0x1e: {  	[tilespmem:s23+$0x3060 ss:$0x81] =	vst.msk $0xffff, v62;
	s21 =	sshrl.u32 s21, $0x3;
	s30 =	sshll.u32 s29, $0x12;
	s24 =	sadd.s32 s25, s24  }
0x1f: {  	[tilespmem:s23+$0x0 ss:$0x81] =	vst.msk $0xffff, v63;
	s31 =	sor.u32 $0x80, s30;
	s22 =	sand.u32 $0x3FFFFFFF, s22;
	s21 =	sadd.s32 s21, s24  }
0x20: {  	[hbm4b:s21+s31] =	stream.strided.scatter [tilespmem:s20], [sflag:$0x2], s22, s9, s31, $0x20;
	[tilespmem:$0x10100] =	vst v63  }
.LBB1_5:
0x21: {  	p1 =	slt.u32 s16, $0x2;
	s21 =	smov.u32 s19  }
0x22: {  	p2 =	sgt.s32 @!p1 s18, $0xB81;
	s20 =	sshra.s32 @!p1 s18, $0x1F;
	p3 =	sgt.s32 @!p1 s19, $0x3  }
0x23: {  	s22 =	sshra.s32 @!p1 s19, $0x1F;
	p2 =	por !p2, p1;
	s20 =	sand.u32 @!p1 s20, s18  }
0x24: {  	p3 =	por !p3, p1;
	s19 =	sand.u32 @!p1 s22, s19;
	s22 =	sshra.s32 @!p1 s17, $0x1F  }
0x25: {  	s21 =	simm.s32 @p3 $0x3;
	p3 =	sgt.s32 @!p1 s17, $0xF80;
	s18 =	simm.s32 @p2 $0xB81  }
0x26: {  	s19 =	ssub.s32 @!p1 s21, s19;
	p3 =	por !p3, p1;
	s21 =	smov.u32 s17  }
0x27: {  	s17 =	sand.u32 @!p1 s22, s17;
	s18 =	ssub.s32 @!p1 s18, s20;
	s21 =	simm.s32 @p3 $0xF80  }
0x28: {  	s20 =	sadd.s32 @!p1 $0xFFFFFFFD, s19;
	s19 =	ssub.s32 @!p1 $0x4, s19;
	s17 =	ssub.s32 @!p1 s21, s17  }
0x29: {  	s21 =	sadd.s32 @!p1 $0xFFFFF47F, s18;
	p2 =	sgt.s32 @!p1 s20, $0x0;
	s20 =	sadd.s32 @!p1 $0xFFFFF080, s17  }
0x2a: {  	s18 =	ssub.s32 @!p1 $0xC01, s18;
	p2 =	por !p2, p1;
	p3 =	sgt.s32 @!p1 s20, $0x7F  }
0x2b: {  	s17 =	ssub.s32 @!p1 $0x1000, s17;
	s19 =	simm.s32 @!p2 $0x0;
	p2 =	por !p3, p1  }
0x2c: {  	s20 =	sadd.s32 $0x80, s13;
	p3 =	sgt.s32 @!p1 s21, $0x7F;
	s17 =	simm.s32 @!p2 $0x0  }
0x2d: {  	s21 =	smov.u32 s14;
	p2 =	por !p3, p1;
	s17 =	smul.u32 @!p1 s19, s17  }
0x2e: {  	s18 =	simm.s32 @!p2 $0x0;
	p2 =	sgt.s32 s20, $0xC00;
	s19 =	sadd.s32 $0x400, s14  }
0x2f: {  	s22 =	smov.u32 s15;
	s21 =	smov.u32 @p2 s19  }
0x30: {  	s17 =	smul.u32 @!p1 s18, s17;
	p3 =	sgt.s32 s21, $0xFFF;
	s18 =	sadd.s32 $0x4, s15  }
0x31: {  	p0 =	por !p0, !p0;
	s23 =	simm.s32 @!p1 $0x2;
	s22 =	smov.u32 @p3 s18  }
0x32: {  	s20 =	simm.s32 @p2 $0x0;
	s19 =	smov.u32 s12;
	p2 =	sgt.s32 s22, $0x3  }
0x33: {  	s12 =	smov.u32 s15;
	s22 =	smov.u32 @p2 s7;
	p2 =	sne.s32 s16, s8  }
.Ltmp1:
0x34: {  	s21 =	smov.u32 @p3 s2;
	s18 =	smov.u32 s10;
	(pc) =	sbr.rel @!p2 .LBB1_6-.Ltmp1, $4  }
0x35: {  	s10 =	smov.u32 s13;
	s13 =	smov.u32 s20;
	s17 =	sand.u32 @!p1 $0x3FFFFFFF, s17  }
0x36: {  	_ =	swait.ge @!p1 [sflag:s23], s17;
	s24 =	ssub.s32 @!p1 $0x0, s17;
	s17 =	smov.u32 s11  }
0x37: {  	s16 =	sadd.s32 $0x1, s16;
	s11 =	smov.u32 s14;
	[sflag:s23] =	ssyncset.done @!p1 $0x0  }
0x38: {  	s14 =	smov.u32 s21;
	s15 =	smov.u32 s22;
	[sflag:s23] =	ssyncadd.s32 @!p1 s24  }
.LBB1_1:
0x39: {  	p1 =	sge.u32 s16, s6  }
0x3a: {  	s20 =	sshrl.u32 @!p1 s14, $0x3  }
0x3b: {  	s21 =	sshll.u32 @!p1 s13, $0x3;
	s20 =	smul.u32 @!p1 $0x6400, s20  }
0x3c: {  	s22 =	sshll.u32 @!p1 s14, $0x7;
	s21 =	sand.u32 @!p1 $0xFFFFFC00, s21  }
0x3d: {  	s20 =	sadd.s32 @!p1 s20, s21;
	s21 =	sand.u32 @!p1 $0x380, s22  }
0x3e: {  	s22 =	sand.u32 @!p1 $0x7F, s13;
	s20 =	sor.u32 @!p1 s21, s20  }
0x3f: {  	s21 =	sor.u32 @!p1 s22, s20  }
0x40: {  	s22 =	smulhi.u32 @!p1 $0x51EB851F, s21  }
0x41: {  	s20 =	smulhi.u32 @!p1 $0x51EB851F, s20  }
0x42: {  	s22 =	sshrl.u32 @!p1 s22, $0xA  }
0x43: {  	s31 =	sadd.s32 $0xFFFFFFFF, s16;
	s20 =	sshrl.u32 @!p1 s20, $0xA;
	s22 =	smul.u32 @!p1 $0xC80, s22  }
0x44: {  	s23 =	sxor.u32 @!p1 $0xFFFFFFFF, s16;
	s24 =	smul.u32 @!p1 $0x190000, s15;
	s20 =	sand.u32 @!p1 $0xFFF, s20  }
0x45: {  	s23 =	sshll.u32 @!p1 s23, $0xE;
	s20 =	smul.u32 @!p1 $0x190, s20;
	s21 =	ssub.s32 @!p1 s21, s22  }
0x46: {  	s22 =	sand.u32 @!p1 $0x4000, s23;
	s23 =	sadd.s32 @!p1 s4, s24;
	s24 =	sand.u32 @!p1 $0x7, s21  }
0x47: {  	s21 =	sshrl.u32 @!p1 s21, $0x3;
	s20 =	sadd.s32 @!p1 s20, s23;
	s23 =	sshll.u32 @!p1 s24, $0x12  }
0x48: {  	s20 =	sadd.s32 @!p1 s21, s20;
	s21 =	sor.u32 @!p1 $0x400, s23;
	s23 =	simm.s32 @!p1 $0x6400  }
0x49: {  	[tilespmem:s22], [sflag:$0x1] =	stream.strided.gather @!p1 [hbm4b:s20+s21], $0x4000, s23, s21, $0x38;
	[tilespmem:$0x10100] =	vst v63  }
0x4a: {  	p1 =	sge.u32 s31, s6  }
.Ltmp2:
0x4b: {  	_ = 	snop;
	(pc) =	sbr.rel @p1 .LBB1_5-.Ltmp2, $1  }
0x4c: {  	_ =	sdelay $0x3  }
0x4d: {  	s20 =	simm.s32 $0x1  }
0x4e: {  	_ =	swait.ge [sflag:s5], $0x4000;
	s20 =	simm.s32 @!p0 $0x0  }
0x4f: {  	[sflag:s5] =	ssyncset.done $0x0;
	s21 =	sshll.u32 s20, $0xE  }
0x50: {  	[sflag:s5] =	ssyncadd.s32 $0xFFFFC000;
	s21 =	sor.u32 $0x40, s21  }
0x51: {  	s20 =	smul.u32 $0x10200, s20;
	v0 =	vld [tilespmem:s21+$0x30]  }
0x52: {  	v1 =	vld [tilespmem:s21+$0xFFFFFFD0]  }
0x53: {  	s20 =	sshrl.u32 s20, $0x2;
	v5 =	vld [tilespmem:s21+$0xFFFFFFE0]  }
0x54: {  	v6 =	vld [tilespmem:s21+$0xFFFFFFF0];
	s23 =	sor.u32 $0x8000, s20  }
0x55: {  	s31 =	sand.u32 $0x1, s16;
	v4 =	vld [tilespmem:s21+$0x0];
	s22 =	sadd.s32 $0x0, s23  }
0x56: {  	v3 =	vld [tilespmem:s21+$0x10];
	s20 =	smul.u32 $0x10200, s31;
	[tilespmem:s22+$0x3870 ss:$0x81] =	vst.msk $0xffff, v0  }
0x57: {  	v2 =	vld [tilespmem:s21+$0x20];
	[tilespmem:s22+$0x810 ss:$0x81] =	vst.msk $0xffff, v1  }
0x58: {  	s20 =	sshrl.u32 s20, $0x2;
	v1 =	vld [tilespmem:s21+$0xFFFFFFC0];
	[tilespmem:s22+$0x1020 ss:$0x81] =	vst.msk $0xffff, v5;
	s21 =	sadd.s32 $0x80, s21  }
0x59: {  	s24 =	simm.s32 $0x4;
	s25 =	simm.s32 $0x8;
	s20 =	sor.u32 $0x8000, s20;
	[tilespmem:s22+$0x1830 ss:$0x81] =	vst.msk $0xffff, v6;
	v0 =	vld [tilespmem:s21+$0x30]  }
.LBB1_3:
0x5a: {  	p1 =	sne.s32 s25, $0x1FC;
	v5 =	vld [tilespmem:s21+$0xFFFFFFD0];
	[tilespmem:s22+$0x2040 ss:$0x81] =	vst.msk $0xffff, v4  }
0x5b: {  	v6 =	vld [tilespmem:s21+$0xFFFFFFE0];
	[tilespmem:s22+$0x2850 ss:$0x81] =	vst.msk $0xffff, v3  }
0x5c: {  	s26 =	sshra.s32 s24, $0x2;
	s24 =	smov.u32 s25;
	v7 =	vld [tilespmem:s21+$0xFFFFFFF0];
	[tilespmem:s22+$0x3060 ss:$0x81] =	vst.msk $0xffff, v2  }
.Ltmp3:
0x5d: {  	v4 =	vld [tilespmem:s21+$0x0];
	[tilespmem:s22+$0x0 ss:$0x81] =	vst.msk $0xffff, v1;
	s22 =	sadd.s32 s26, s23;
	(pc) =	sbr.rel @p1 .LBB1_3-.Ltmp3, $4  }
0x5e: {  	v3 =	vld [tilespmem:s21+$0x10];
	[tilespmem:s22+$0x3870 ss:$0x81] =	vst.msk $0xffff, v0  }
0x5f: {  	[tilespmem:s22+$0x810 ss:$0x81] =	vst.msk $0xffff, v5;
	v2 =	vld [tilespmem:s21+$0x20]  }
0x60: {  	v1 =	vld [tilespmem:s21+$0xFFFFFFC0];
	[tilespmem:s22+$0x1020 ss:$0x81] =	vst.msk $0xffff, v6;
	s21 =	sadd.s32 $0x80, s21  }
0x61: {  	s25 =	sadd.s32 $0x4, s25;
	v0 =	vld [tilespmem:s21+$0x30];
	[tilespmem:s22+$0x1830 ss:$0x81] =	vst.msk $0xffff, v7  }
.Ltmp4:
0x62: {  	_ = 	snop;
	(pc) =	sbr.rel .LBB1_4-.Ltmp4, $1  }
0x63: {  	_ =	sdelay $0x3  }
.LBB1_6:
0x64: {  	_ =	sfence.sel $0x180000  }
0x65: {  	s2 =	simm.s32 $0x1;
	[bflag:$0x0] =	sbarrier.arrive $0xFFFF  }
0x66: {  	s31 =	simm.s32 $0x2;
	[sflag:s2] =	ssyncpa.u1 $0x1  }
0x67: {  	[sflag:s31] =	ssyncpa.u1 $0x1  }
0x68: {  	p0 =	sne.s32 s0, $0x0;
	_ =	strace $0x9000004A  }
0x69: {  	s0 =	sadd.s32 @!p0 $0x100000, s1;
	[bflag:$0x2] =	sbarrier.arrive $0xFFFF  }
0x6a: {  	[sflag:s0] =	ssyncadd.tile.s32 @!p0 $0x1;
	_ =	shalt  }
.Lfunc_end1:
_tile_overlayer_lowered:
.L_overlay_start_2:
0x6b: {  	(tag) =	ssettag $0x2  }
0x6c: {  	s0 =	rddreg [dreg:$0x0];
	s2 =	stileid.u32  }
0x6d: {  	s1 =	rddreg [dreg:$0x1];
	p0 =	sne.s32 s2, $0x0  }
0x6e: {  	s3 =	rddreg [dreg:$0x2];
	[bflag:$0x3] =	sbarrier.arrive $0xFFFF;
	s2 =	simm.s32 @!p0 $0x1C01  }
0x6f: {  	[timem:s3], [sflag:s2] =	dma.local @!p0 [hbm:s0], s1  }
0x70: {  	s0 =	simm.s32 @!p0 $0x1  }
0x71: {  	_ =	swait.ge @!p0 [sflag:s0], s1  }
0x72: {  	s1 =	ssub.s32 @!p0 $0x0, s1;
	[sflag:s0] =	ssyncset.done @!p0 $0x0  }
0x73: {  	[sflag:s0] =	ssyncadd.s32 @!p0 s1  }
0x74: {  	[bflag:$0x3] =	sbarrier.arrive $0xFFFF  }
0x75: {  	_ =	shalt  }

</sc_bundles>
